<compile_context>
chip_gen: v7x
topology: tpu7x:2x2x1
jax: 0.10.2.dev20260603
libtpu: 0.0.44.dev20260713+nightly
codegen_flags: <defaults>
</compile_context>

<pallas_src>
import functools

import jax
import jax.numpy as jnp
from jax import lax
from jax.experimental import pallas as pl
from jax.experimental.pallas import tpu as pltpu
from jax.experimental.pallas import tpu_sc as plsc

N = 10000
E = 320000
D = 128
NP = 10240
NC = 2
NS = 16
NW = NC * NS
CH = 128
NCHUNK = 80
EPT = NCHUNK * CH
EP = NW * EPT
ROWS = NP // NS
BLK = 512
NBLK = NP // BLK

_mesh = plsc.VectorSubcoreMesh(core_axis_name="c", subcore_axis_name="s")


@functools.partial(
    pl.kernel,
    out_type=jax.ShapeDtypeStruct((NW, 2 * NP), jnp.float32),
    mesh=_mesh,
    scratch_types=[
        pltpu.VMEM((2, NCHUNK, CH), jnp.int32),
        pltpu.VMEM((2 * NP,), jnp.float32),
    ],
    compiler_params=pltpu.CompilerParams(needs_layout_passes=False),
)
def _hist(srcdst, z2N, deg_out, idx_v, cnt):
    c = lax.axis_index("c")
    s = lax.axis_index("s")
    g = s * NC + c
    pltpu.sync_copy(z2N, cnt)
    pltpu.sync_copy(srcdst.at[g], idx_v)
    ones = jnp.ones((16,), jnp.float32)

    def body(j, carry):
        def inner(k, carry2):
            iv_s = idx_v[0, j, pl.ds(k * 16, 16)]
            plsc.addupdate_scatter(cnt, [iv_s], ones)
            iv_d = idx_v[1, j, pl.ds(k * 16, 16)] + NP
            plsc.addupdate_scatter(cnt, [iv_d], ones)
            return carry2
        return lax.fori_loop(0, CH // 16, inner, carry)

    lax.fori_loop(0, NCHUNK, body, 0)
    pltpu.sync_copy(cnt, deg_out.at[g])


def _xw_body(feat_ref, degs_ref, w_ref, x_ref):
    d = jnp.sum(degs_ref[...], axis=0)[:, None]
    ns = jnp.where(d > 0, lax.rsqrt(d), 0.0)
    x_ref[...] = jnp.dot(feat_ref[...] * ns, w_ref[...],
                         preferred_element_type=jnp.float32)


def _xw(featp, degs, W):
    return pl.pallas_call(
        _xw_body,
        grid=(NBLK,),
        in_specs=[
            pl.BlockSpec((BLK, D), lambda i: (i, 0)),
            pl.BlockSpec((NW, BLK), lambda i: (0, i)),
            pl.BlockSpec((D, D), lambda i: (0, 0)),
        ],
        out_specs=pl.BlockSpec((BLK, D), lambda i: (i, 0)),
        out_shape=jax.ShapeDtypeStruct((NP, D), jnp.float32),
    )(featp, degs, W)


ST = 40


@functools.partial(
    pl.kernel,
    out_type=jax.ShapeDtypeStruct((NC, NP, D), jnp.float32),
    mesh=_mesh,
    scratch_types=[
        pltpu.VMEM((ST, CH), jnp.int32),
        pltpu.VMEM((ST, CH), jnp.int32),
        pltpu.VMEM((CH, D), jnp.float32),
        pltpu.VMEM((CH, D), jnp.float32),
        pltpu.VMEM_SHARED((NP, D), jnp.float32),
        pltpu.SemaphoreType.DMA,
        pltpu.SemaphoreType.DMA,
    ],
)
def _agg(x, src3, dst3, zD, out,
         sidx, didx, buf0, buf1, agg_sh, sem0, sem1):
    c = lax.axis_index("c")
    s = lax.axis_index("s")
    g = s * NC + c
    pltpu.sync_copy(zD.at[pl.ds(s * ROWS, ROWS)],
                    agg_sh.at[pl.ds(s * ROWS, ROWS)])
    plsc.subcore_barrier()

    for p in range(NCHUNK // ST):
        pltpu.sync_copy(src3.at[g, pl.ds(p * ST, ST)], sidx)
        pltpu.sync_copy(dst3.at[g, pl.ds(p * ST, ST)], didx)

        pltpu.async_copy(x.at[sidx.at[0]], buf0, sem0)

        def body(t, carry):
            j0 = 2 * t
            pltpu.async_copy(x.at[sidx.at[j0 + 1]], buf1, sem1)
            pltpu.make_async_copy(x.at[sidx.at[j0]], buf0, sem0).wait()
            pltpu.sync_copy(buf0, agg_sh.at[didx.at[j0]], add=True)
            pltpu.async_copy(x.at[sidx.at[j0 + 2]], buf0, sem0)
            pltpu.make_async_copy(x.at[sidx.at[j0 + 1]], buf1, sem1).wait()
            pltpu.sync_copy(buf1, agg_sh.at[didx.at[j0 + 1]], add=True)
            return carry

        lax.fori_loop(0, ST // 2 - 1, body, 0)

        jl = ST - 2
        pltpu.async_copy(x.at[sidx.at[jl + 1]], buf1, sem1)
        pltpu.make_async_copy(x.at[sidx.at[jl]], buf0, sem0).wait()
        pltpu.sync_copy(buf0, agg_sh.at[didx.at[jl]], add=True)
        pltpu.make_async_copy(x.at[sidx.at[jl + 1]], buf1, sem1).wait()
        pltpu.sync_copy(buf1, agg_sh.at[didx.at[jl + 1]], add=True)

    plsc.subcore_barrier()
    pltpu.sync_copy(agg_sh.at[pl.ds(s * ROWS, ROWS)],
                    out.at[c, pl.ds(s * ROWS, ROWS)])


def _final_body(aggp_ref, degd_ref, b_ref, a_ref, h_ref, hg_ref):
    i = pl.program_id(0)
    agg = aggp_ref[0] + aggp_ref[1]
    d = jnp.sum(degd_ref[...], axis=0)[:, None]
    nd = jnp.where(d > 0, lax.rsqrt(d), 0.0)
    rst = agg * nd + b_ref[...]
    a = a_ref[0, 0]
    h = jnp.maximum(rst, 0.0) + a * jnp.minimum(rst, 0.0)
    row = i * BLK + lax.broadcasted_iota(jnp.int32, (BLK, 1), 0)
    h = jnp.where(row < N, h, 0.0)
    h_ref[...] = h

    @pl.when(i == 0)
    def _init():
        hg_ref[...] = jnp.zeros_like(hg_ref)

    hg_ref[...] += jnp.sum(h, axis=0, keepdims=True)


def _final(aggp, degd, b2, a2):
    return pl.pallas_call(
        _final_body,
        grid=(NBLK,),
        in_specs=[
            pl.BlockSpec((NC, BLK, D), lambda i: (0, i, 0)),
            pl.BlockSpec((NW, BLK), lambda i: (0, i)),
            pl.BlockSpec((1, D), lambda i: (0, 0)),
            pl.BlockSpec((1, 1), lambda i: (0, 0)),
        ],
        out_specs=[
            pl.BlockSpec((BLK, D), lambda i: (i, 0)),
            pl.BlockSpec((1, D), lambda i: (0, 0)),
        ],
        out_shape=[
            jax.ShapeDtypeStruct((NP, D), jnp.float32),
            jax.ShapeDtypeStruct((1, D), jnp.float32),
        ],
    )(aggp, degd, b2, a2)


def kernel(feat, edge_index, W, b, prelu_a):
    src = edge_index[0].astype(jnp.int32)
    dst = edge_index[1].astype(jnp.int32)
    fill = jnp.full((EP - E,), N, jnp.int32)
    src_pad = jnp.concatenate([src, fill])
    dst_pad = jnp.concatenate([dst, fill])
    src3 = src_pad.reshape(NW, NCHUNK, CH)
    dst3 = dst_pad.reshape(NW, NCHUNK, CH)
    featp = jnp.pad(feat, ((0, NP - N), (0, 0)))

    z2N = jnp.zeros((2 * NP,), jnp.float32)
    zD = jnp.zeros((NP, D), jnp.float32)
    srcdst = jnp.stack([src3, dst3], axis=1)

    deg_all = _hist(srcdst, z2N).reshape(NW, 2, NP)
    degs = deg_all[:, 0]
    degd = deg_all[:, 1]
    x = _xw(featp, degs, W)
    aggp = _agg(x, src3, dst3, zD)
    h_pad, hg = _final(aggp, degd, b.reshape(1, D),
                       jnp.reshape(prelu_a, (1, 1)))
    return h_pad[:N], hg

# --- scband reference (transcript-rebuilt; emitter-appended) ---
"""Pipeline reference for scband-gcn-11854109737478 (READ-ONLY COPY).

The authoritative reference and input builder live on the scoring server;
editing this copy changes nothing except your own understanding.
"""

import jax, jax.numpy as jnp
import numpy as np

N_NODES = 10000
N_EDGES = 320000
IN_DIM = 128
OUT_DIM = 128


def setup_inputs(seed: int = 0) -> dict:
    key = jax.random.key(seed)
    k1, k2, k3, k4 = jax.random.split(key, 4)
    feat = jax.random.normal(k1, (N_NODES, IN_DIM), dtype=jnp.float32)
    edge_index = jax.random.randint(k2, (2, N_EDGES), 0, N_NODES, dtype=jnp.int64)
    # GraphConv weight (glorot-ish) and bias
    W = jax.random.normal(k3, (IN_DIM, OUT_DIM), dtype=jnp.float32) * (1.0 / np.sqrt(IN_DIM))
    b = jnp.zeros((OUT_DIM,), dtype=jnp.float32)
    # PReLU single learnable parameter, default init 0.25
    prelu_a = jnp.asarray(0.25, dtype=jnp.float32)
    return {"feat": feat, "edge_index": edge_index, "W": W, "b": b, "prelu_a": prelu_a}


def _graph_conv_both(feat, edge_index, W, b):
    # DGL GraphConv with norm='both':
    #   rst = D_in^{-1/2} A D_out^{-1/2} X W + b
    src = edge_index[0]
    dst = edge_index[1]
    deg_out = jnp.bincount(src, length=N_NODES).astype(jnp.float32)
    deg_in = jnp.bincount(dst, length=N_NODES).astype(jnp.float32)
    norm_src = jnp.where(deg_out > 0, deg_out ** -0.5, 0.0)
    norm_dst = jnp.where(deg_in > 0, deg_in ** -0.5, 0.0)
    x = feat * norm_src[:, None]
    # in_dim == out_dim: apply weight before aggregation (DGL's mult-W-first path)
    x = x @ W
    msg = x[src]  # gather over edges
    agg = jnp.zeros((N_NODES, x.shape[1]), dtype=x.dtype).at[dst].add(msg)  # scatter-add
    rst = agg * norm_dst[:, None] + b
    return rst


def _prelu(x, a):
    return jnp.maximum(x, 0.0) + a * jnp.minimum(x, 0.0)


def reference(feat, edge_index, W, b, prelu_a):
    # num_layers = 1: h = PReLU(GraphConv(g, feat)); hg = SumPooling(g, h)
    h = _prelu(_graph_conv_both(feat, edge_index, W, b), prelu_a)
    # SumPooling over a single graph -> shape [1, out_dim]
    hg = jnp.sum(h, axis=0, keepdims=True)
    return (h, hg)

if __name__ == "__main__":
    import jax
    _d = setup_inputs()
    print(jax.jit(kernel)(*tuple(_d.values())))

</pallas_src>

<mosaic_0001>
#map = affine_map<(d0, d1) -> (0, 0)>
#map1 = affine_map<(d0, d1) -> (0, 0, 0)>
module attributes {stable_mosaic.version = 14 : i64} {
  func.func @_agg(%arg0: i32, %arg1: i32, %arg2: memref<10240x128xf32, #tpu.memory_space<hbm>>, %arg3: memref<32x80x128xi32, #tpu.memory_space<hbm>>, %arg4: memref<32x80x128xi32, #tpu.memory_space<hbm>>, %arg5: memref<10240x128xf32, #tpu.memory_space<hbm>>, %arg6: memref<2x10240x128xf32, #tpu.memory_space<hbm>>, %arg7: memref<40x128xi32, #tpu.memory_space<vmem>>, %arg8: memref<40x128xi32, #tpu.memory_space<vmem>>, %arg9: memref<128x128xf32, #tpu.memory_space<vmem>>, %arg10: memref<128x128xf32, #tpu.memory_space<vmem>>, %arg11: memref<10240x128xf32, #tpu.memory_space<vmem_shared>>, %arg12: memref<!tpu.dma_semaphore, #tpu.memory_space<semaphore_mem>>, %arg13: memref<!tpu.dma_semaphore, #tpu.memory_space<semaphore_mem>>) attributes {dimension_semantics = [#tpu.dimension_semantics<core_parallel>, #tpu.dimension_semantics<subcore_parallel>], iteration_bounds = array<i64: 2, 16>, scalar_prefetch = 0 : i64, scratch_operands = 7 : i64, tpu.core_type = #tpu.core_type<sc_vector_subcore>, window_params = [{transform_indices = #map}, {transform_indices = #map1}, {transform_indices = #map1}, {transform_indices = #map}, {transform_indices = #map1}]} {
    %mul3A = arith.constant 2 : i32
    %mul3A_0 = arith.muli %arg1, %mul3A : i32
    %add3A = arith.addi %mul3A_0, %arg0 : i32
    %mul3A_1 = arith.constant 640 : i32
    %mul3A_2 = arith.muli %arg1, %mul3A_1 : i32
    %mul3A_3 = arith.constant 640 : i32
    %mul3A_4 = arith.muli %arg1, %mul3A_3 : i32
    "tpu.region"() ({
      %run_scoped3A_78 = tpu.sem_alloc : memref<!tpu.dma_semaphore, #tpu.memory_space<semaphore_mem>>
      %dma_start3A_79 = arith.constant 0 : i32
      %dma_start3A_80 = tpu.memref_slice %arg11[%mul3A_4, %dma_start3A_79] : memref<10240x128xf32, #tpu.memory_space<vmem_shared>> -> memref<640x128xf32, #tpu.memory_space<vmem_shared>>
      %dma_start3A_81 = arith.constant 0 : i32
      %dma_start3A_82 = tpu.memref_slice %arg5[%mul3A_2, %dma_start3A_81] : memref<10240x128xf32, #tpu.memory_space<hbm>> -> memref<640x128xf32, #tpu.memory_space<hbm>>
      tpu.enqueue_dma source(%dma_start3A_82 : memref<640x128xf32, #tpu.memory_space<hbm>>) target(%dma_start3A_80 : memref<640x128xf32, #tpu.memory_space<vmem_shared>>) target_semaphore(%run_scoped3A_78 : memref<!tpu.dma_semaphore, #tpu.memory_space<semaphore_mem>>)
      %dma_wait3A_83 = arith.constant 0 : i32
      %dma_wait3A_84 = tpu.memref_slice %arg11[%mul3A_4, %dma_wait3A_83] : memref<10240x128xf32, #tpu.memory_space<vmem_shared>> -> memref<640x128xf32, #tpu.memory_space<vmem_shared>>
      %dma_wait3A_85 = arith.constant 0 : i32
      %dma_wait3A_86 = tpu.memref_slice %arg5[%mul3A_2, %dma_wait3A_85] : memref<10240x128xf32, #tpu.memory_space<hbm>> -> memref<640x128xf32, #tpu.memory_space<hbm>>
      tpu.wait_dma2 semaphore(%run_scoped3A_78 : memref<!tpu.dma_semaphore, #tpu.memory_space<semaphore_mem>>) src(%dma_wait3A_86 : memref<640x128xf32, #tpu.memory_space<hbm>>) dst(%dma_wait3A_84 : memref<640x128xf32, #tpu.memory_space<vmem_shared>>)
      tpu.yield
    }) : () -> ()
    %barrier3A = arith.constant 0 : index
    tpu.barrier barrier_id(%barrier3A)
    "tpu.region"() ({
      %run_scoped3A_78 = tpu.sem_alloc : memref<!tpu.dma_semaphore, #tpu.memory_space<semaphore_mem>>
      %dma_start3A_79 = arith.constant 0 : i32
      %dma_start3A_80 = arith.constant 0 : i32
      %dma_start3A_81 = tpu.memref_slice %arg3[%add3A, %dma_start3A_79, %dma_start3A_80] : memref<32x80x128xi32, #tpu.memory_space<hbm>> -> memref<1x40x128xi32, #tpu.memory_space<hbm>>
      %dma_start3A_82 = tpu.memref_squeeze %dma_start3A_81 : memref<1x40x128xi32, #tpu.memory_space<hbm>> -> memref<40x128xi32, #tpu.memory_space<hbm>>
      %dma_start3A_83 = arith.constant 0 : i32
      %dma_start3A_84 = arith.constant 0 : i32
      %dma_start3A_85 = tpu.memref_slice %arg3[%add3A, %dma_start3A_83, %dma_start3A_84] : memref<32x80x128xi32, #tpu.memory_space<hbm>> -> memref<1x40x128xi32, #tpu.memory_space<hbm>>
      %dma_start3A_86 = tpu.memref_squeeze %dma_start3A_85 : memref<1x40x128xi32, #tpu.memory_space<hbm>> -> memref<40x128xi32, #tpu.memory_space<hbm>>
      tpu.enqueue_dma source(%dma_start3A_86 : memref<40x128xi32, #tpu.memory_space<hbm>>) target(%arg7 : memref<40x128xi32, #tpu.memory_space<vmem>>) target_semaphore(%run_scoped3A_78 : memref<!tpu.dma_semaphore, #tpu.memory_space<semaphore_mem>>)
      %dma_wait3A_87 = arith.constant 0 : i32
      %dma_wait3A_88 = arith.constant 0 : i32
      %dma_wait3A_89 = tpu.memref_slice %arg3[%add3A, %dma_wait3A_87, %dma_wait3A_88] : memref<32x80x128xi32, #tpu.memory_space<hbm>> -> memref<1x40x128xi32, #tpu.memory_space<hbm>>
      %dma_wait3A_90 = tpu.memref_squeeze %dma_wait3A_89 : memref<1x40x128xi32, #tpu.memory_space<hbm>> -> memref<40x128xi32, #tpu.memory_space<hbm>>
      %dma_wait3A_91 = arith.constant 0 : i32
      %dma_wait3A_92 = arith.constant 0 : i32
      %dma_wait3A_93 = tpu.memref_slice %arg3[%add3A, %dma_wait3A_91, %dma_wait3A_92] : memref<32x80x128xi32, #tpu.memory_space<hbm>> -> memref<1x40x128xi32, #tpu.memory_space<hbm>>
      %dma_wait3A_94 = tpu.memref_squeeze %dma_wait3A_93 : memref<1x40x128xi32, #tpu.memory_space<hbm>> -> memref<40x128xi32, #tpu.memory_space<hbm>>
      tpu.wait_dma2 semaphore(%run_scoped3A_78 : memref<!tpu.dma_semaphore, #tpu.memory_space<semaphore_mem>>) src(%dma_wait3A_94 : memref<40x128xi32, #tpu.memory_space<hbm>>) dst(%arg7 : memref<40x128xi32, #tpu.memory_space<vmem>>)
      tpu.yield
    }) : () -> ()
    "tpu.region"() ({
      %run_scoped3A_78 = tpu.sem_alloc : memref<!tpu.dma_semaphore, #tpu.memory_space<semaphore_mem>>
      %dma_start3A_79 = arith.constant 0 : i32
      %dma_start3A_80 = arith.constant 0 : i32
      %dma_start3A_81 = tpu.memref_slice %arg4[%add3A, %dma_start3A_79, %dma_start3A_80] : memref<32x80x128xi32, #tpu.memory_space<hbm>> -> memref<1x40x128xi32, #tpu.memory_space<hbm>>
      %dma_start3A_82 = tpu.memref_squeeze %dma_start3A_81 : memref<1x40x128xi32, #tpu.memory_space<hbm>> -> memref<40x128xi32, #tpu.memory_space<hbm>>
      %dma_start3A_83 = arith.constant 0 : i32
      %dma_start3A_84 = arith.constant 0 : i32
      %dma_start3A_85 = tpu.memref_slice %arg4[%add3A, %dma_start3A_83, %dma_start3A_84] : memref<32x80x128xi32, #tpu.memory_space<hbm>> -> memref<1x40x128xi32, #tpu.memory_space<hbm>>
      %dma_start3A_86 = tpu.memref_squeeze %dma_start3A_85 : memref<1x40x128xi32, #tpu.memory_space<hbm>> -> memref<40x128xi32, #tpu.memory_space<hbm>>
      tpu.enqueue_dma source(%dma_start3A_86 : memref<40x128xi32, #tpu.memory_space<hbm>>) target(%arg8 : memref<40x128xi32, #tpu.memory_space<vmem>>) target_semaphore(%run_scoped3A_78 : memref<!tpu.dma_semaphore, #tpu.memory_space<semaphore_mem>>)
      %dma_wait3A_87 = arith.constant 0 : i32
      %dma_wait3A_88 = arith.constant 0 : i32
      %dma_wait3A_89 = tpu.memref_slice %arg4[%add3A, %dma_wait3A_87, %dma_wait3A_88] : memref<32x80x128xi32, #tpu.memory_space<hbm>> -> memref<1x40x128xi32, #tpu.memory_space<hbm>>
      %dma_wait3A_90 = tpu.memref_squeeze %dma_wait3A_89 : memref<1x40x128xi32, #tpu.memory_space<hbm>> -> memref<40x128xi32, #tpu.memory_space<hbm>>
      %dma_wait3A_91 = arith.constant 0 : i32
      %dma_wait3A_92 = arith.constant 0 : i32
      %dma_wait3A_93 = tpu.memref_slice %arg4[%add3A, %dma_wait3A_91, %dma_wait3A_92] : memref<32x80x128xi32, #tpu.memory_space<hbm>> -> memref<1x40x128xi32, #tpu.memory_space<hbm>>
      %dma_wait3A_94 = tpu.memref_squeeze %dma_wait3A_93 : memref<1x40x128xi32, #tpu.memory_space<hbm>> -> memref<40x128xi32, #tpu.memory_space<hbm>>
      tpu.wait_dma2 semaphore(%run_scoped3A_78 : memref<!tpu.dma_semaphore, #tpu.memory_space<semaphore_mem>>) src(%dma_wait3A_94 : memref<40x128xi32, #tpu.memory_space<hbm>>) dst(%arg8 : memref<40x128xi32, #tpu.memory_space<vmem>>)
      tpu.yield
    }) : () -> ()
    %dma_start3A = arith.constant 0 : i32
    %dma_start3A_5 = arith.constant 0 : i32
    %dma_start3A_6 = tpu.memref_slice %arg7[%dma_start3A, %dma_start3A_5] : memref<40x128xi32, #tpu.memory_space<vmem>> -> memref<1x128xi32, #tpu.memory_space<vmem>>
    %dma_start3A_7 = tpu.memref_squeeze %dma_start3A_6 : memref<1x128xi32, #tpu.memory_space<vmem>> -> memref<128xi32, #tpu.memory_space<vmem>>
    %dma_start3A_8 = arith.constant 0 : i32
    %dma_start3A_9 = arith.constant 0 : i32
    %dma_start3A_10 = tpu.memref_slice %arg2[%dma_start3A_8, %dma_start3A_9] : memref<10240x128xf32, #tpu.memory_space<hbm>> -> memref<10240x128xf32, #tpu.memory_space<hbm>>
    tpu.enqueue_indirect_dma source(%dma_start3A_10 : memref<10240x128xf32, #tpu.memory_space<hbm>>) target(%arg9 : memref<128x128xf32, #tpu.memory_space<vmem>>) offsets(%dma_start3A_7 : memref<128xi32, #tpu.memory_space<vmem>>) semaphore(%arg12 : memref<!tpu.dma_semaphore, #tpu.memory_space<semaphore_mem>>)
    %scan3A = arith.constant 0 : i32
    %scan3A_11 = arith.constant 0 : i32
    %scan3A_12 = arith.constant 19 : i32
    %scan3A_13 = arith.addi %scan3A_11, %scan3A_12 : i32
    %scan3A_14 = arith.constant 1 : i32
    scf.for %scan3A_78 = %scan3A_11 to %scan3A_13 step %scan3A_14  : i32 {
      %mul3A_79 = arith.constant 2 : i32
      %mul3A_80 = arith.muli %mul3A_79, %scan3A_78 : i32
      %add3A_81 = arith.constant 1 : i32
      %add3A_82 = arith.addi %mul3A_80, %add3A_81 : i32
      %dma_start3A_83 = arith.constant 0 : i32
      %dma_start3A_84 = tpu.memref_slice %arg7[%add3A_82, %dma_start3A_83] : memref<40x128xi32, #tpu.memory_space<vmem>> -> memref<1x128xi32, #tpu.memory_space<vmem>>
      %dma_start3A_85 = tpu.memref_squeeze %dma_start3A_84 : memref<1x128xi32, #tpu.memory_space<vmem>> -> memref<128xi32, #tpu.memory_space<vmem>>
      %dma_start3A_86 = arith.constant 0 : i32
      %dma_start3A_87 = arith.constant 0 : i32
      %dma_start3A_88 = tpu.memref_slice %arg2[%dma_start3A_86, %dma_start3A_87] : memref<10240x128xf32, #tpu.memory_space<hbm>> -> memref<10240x128xf32, #tpu.memory_space<hbm>>
      tpu.enqueue_indirect_dma source(%dma_start3A_88 : memref<10240x128xf32, #tpu.memory_space<hbm>>) target(%arg10 : memref<128x128xf32, #tpu.memory_space<vmem>>) offsets(%dma_start3A_85 : memref<128xi32, #tpu.memory_space<vmem>>) semaphore(%arg13 : memref<!tpu.dma_semaphore, #tpu.memory_space<semaphore_mem>>)
      %dma_wait3A_89 = arith.constant 0 : i32
      %dma_wait3A_90 = tpu.memref_slice %arg7[%mul3A_80, %dma_wait3A_89] : memref<40x128xi32, #tpu.memory_space<vmem>> -> memref<1x128xi32, #tpu.memory_space<vmem>>
      %dma_wait3A_91 = tpu.memref_squeeze %dma_wait3A_90 : memref<1x128xi32, #tpu.memory_space<vmem>> -> memref<128xi32, #tpu.memory_space<vmem>>
      %dma_wait3A_92 = arith.constant 0 : i32
      %dma_wait3A_93 = arith.constant 0 : i32
      %dma_wait3A_94 = tpu.memref_slice %arg2[%dma_wait3A_92, %dma_wait3A_93] : memref<10240x128xf32, #tpu.memory_space<hbm>> -> memref<10240x128xf32, #tpu.memory_space<hbm>>
      tpu.wait_indirect_dma semaphore(%arg12 : memref<!tpu.dma_semaphore, #tpu.memory_space<semaphore_mem>>) src(%dma_wait3A_94 : memref<10240x128xf32, #tpu.memory_space<hbm>>) dst(%arg9 : memref<128x128xf32, #tpu.memory_space<vmem>>)
      "tpu.region"() ({
        %run_scoped3A_113 = tpu.sem_alloc : memref<!tpu.dma_semaphore, #tpu.memory_space<semaphore_mem>>
        %dma_start3A_114 = arith.constant 0 : i32
        %dma_start3A_115 = tpu.memref_slice %arg8[%mul3A_80, %dma_start3A_114] : memref<40x128xi32, #tpu.memory_space<vmem>> -> memref<1x128xi32, #tpu.memory_space<vmem>>
        %dma_start3A_116 = tpu.memref_squeeze %dma_start3A_115 : memref<1x128xi32, #tpu.memory_space<vmem>> -> memref<128xi32, #tpu.memory_space<vmem>>
        %dma_start3A_117 = arith.constant 0 : i32
        %dma_start3A_118 = arith.constant 0 : i32
        %dma_start3A_119 = tpu.memref_slice %arg11[%dma_start3A_117, %dma_start3A_118] : memref<10240x128xf32, #tpu.memory_space<vmem_shared>> -> memref<10240x128xf32, #tpu.memory_space<vmem_shared>>
        tpu.enqueue_indirect_dma source(%arg9 : memref<128x128xf32, #tpu.memory_space<vmem>>) target(%dma_start3A_119 : memref<10240x128xf32, #tpu.memory_space<vmem_shared>>) offsets(%dma_start3A_116 : memref<128xi32, #tpu.memory_space<vmem>>) semaphore(%run_scoped3A_113 : memref<!tpu.dma_semaphore, #tpu.memory_space<semaphore_mem>>) {add = true}
        %dma_wait3A_120 = arith.constant 0 : i32
        %dma_wait3A_121 = tpu.memref_slice %arg8[%mul3A_80, %dma_wait3A_120] : memref<40x128xi32, #tpu.memory_space<vmem>> -> memref<1x128xi32, #tpu.memory_space<vmem>>
        %dma_wait3A_122 = tpu.memref_squeeze %dma_wait3A_121 : memref<1x128xi32, #tpu.memory_space<vmem>> -> memref<128xi32, #tpu.memory_space<vmem>>
        %dma_wait3A_123 = arith.constant 0 : i32
        %dma_wait3A_124 = arith.constant 0 : i32
        %dma_wait3A_125 = tpu.memref_slice %arg11[%dma_wait3A_123, %dma_wait3A_124] : memref<10240x128xf32, #tpu.memory_space<vmem_shared>> -> memref<10240x128xf32, #tpu.memory_space<vmem_shared>>
        tpu.wait_indirect_dma semaphore(%run_scoped3A_113 : memref<!tpu.dma_semaphore, #tpu.memory_space<semaphore_mem>>) src(%arg9 : memref<128x128xf32, #tpu.memory_space<vmem>>) dst(%dma_wait3A_125 : memref<10240x128xf32, #tpu.memory_space<vmem_shared>>)
        tpu.yield
      }) : () -> ()
      %add3A_95 = arith.constant 2 : i32
      %add3A_96 = arith.addi %mul3A_80, %add3A_95 : i32
      %dma_start3A_97 = arith.constant 0 : i32
      %dma_start3A_98 = tpu.memref_slice %arg7[%add3A_96, %dma_start3A_97] : memref<40x128xi32, #tpu.memory_space<vmem>> -> memref<1x128xi32, #tpu.memory_space<vmem>>
      %dma_start3A_99 = tpu.memref_squeeze %dma_start3A_98 : memref<1x128xi32, #tpu.memory_space<vmem>> -> memref<128xi32, #tpu.memory_space<vmem>>
      %dma_start3A_100 = arith.constant 0 : i32
      %dma_start3A_101 = arith.constant 0 : i32
      %dma_start3A_102 = tpu.memref_slice %arg2[%dma_start3A_100, %dma_start3A_101] : memref<10240x128xf32, #tpu.memory_space<hbm>> -> memref<10240x128xf32, #tpu.memory_space<hbm>>
      tpu.enqueue_indirect_dma source(%dma_start3A_102 : memref<10240x128xf32, #tpu.memory_space<hbm>>) target(%arg9 : memref<128x128xf32, #tpu.memory_space<vmem>>) offsets(%dma_start3A_99 : memref<128xi32, #tpu.memory_space<vmem>>) semaphore(%arg12 : memref<!tpu.dma_semaphore, #tpu.memory_space<semaphore_mem>>)
      %add3A_103 = arith.constant 1 : i32
      %add3A_104 = arith.addi %mul3A_80, %add3A_103 : i32
      %dma_wait3A_105 = arith.constant 0 : i32
      %dma_wait3A_106 = tpu.memref_slice %arg7[%add3A_104, %dma_wait3A_105] : memref<40x128xi32, #tpu.memory_space<vmem>> -> memref<1x128xi32, #tpu.memory_space<vmem>>
      %dma_wait3A_107 = tpu.memref_squeeze %dma_wait3A_106 : memref<1x128xi32, #tpu.memory_space<vmem>> -> memref<128xi32, #tpu.memory_space<vmem>>
      %dma_wait3A_108 = arith.constant 0 : i32
      %dma_wait3A_109 = arith.constant 0 : i32
      %dma_wait3A_110 = tpu.memref_slice %arg2[%dma_wait3A_108, %dma_wait3A_109] : memref<10240x128xf32, #tpu.memory_space<hbm>> -> memref<10240x128xf32, #tpu.memory_space<hbm>>
      tpu.wait_indirect_dma semaphore(%arg13 : memref<!tpu.dma_semaphore, #tpu.memory_space<semaphore_mem>>) src(%dma_wait3A_110 : memref<10240x128xf32, #tpu.memory_space<hbm>>) dst(%arg10 : memref<128x128xf32, #tpu.memory_space<vmem>>)
      %add3A_111 = arith.constant 1 : i32
      %add3A_112 = arith.addi %mul3A_80, %add3A_111 : i32
      "tpu.region"() ({
        %run_scoped3A_113 = tpu.sem_alloc : memref<!tpu.dma_semaphore, #tpu.memory_space<semaphore_mem>>
        %dma_start3A_114 = arith.constant 0 : i32
        %dma_start3A_115 = tpu.memref_slice %arg8[%add3A_112, %dma_start3A_114] : memref<40x128xi32, #tpu.memory_space<vmem>> -> memref<1x128xi32, #tpu.memory_space<vmem>>
        %dma_start3A_116 = tpu.memref_squeeze %dma_start3A_115 : memref<1x128xi32, #tpu.memory_space<vmem>> -> memref<128xi32, #tpu.memory_space<vmem>>
        %dma_start3A_117 = arith.constant 0 : i32
        %dma_start3A_118 = arith.constant 0 : i32
        %dma_start3A_119 = tpu.memref_slice %arg11[%dma_start3A_117, %dma_start3A_118] : memref<10240x128xf32, #tpu.memory_space<vmem_shared>> -> memref<10240x128xf32, #tpu.memory_space<vmem_shared>>
        tpu.enqueue_indirect_dma source(%arg10 : memref<128x128xf32, #tpu.memory_space<vmem>>) target(%dma_start3A_119 : memref<10240x128xf32, #tpu.memory_space<vmem_shared>>) offsets(%dma_start3A_116 : memref<128xi32, #tpu.memory_space<vmem>>) semaphore(%run_scoped3A_113 : memref<!tpu.dma_semaphore, #tpu.memory_space<semaphore_mem>>) {add = true}
        %dma_wait3A_120 = arith.constant 0 : i32
        %dma_wait3A_121 = tpu.memref_slice %arg8[%add3A_112, %dma_wait3A_120] : memref<40x128xi32, #tpu.memory_space<vmem>> -> memref<1x128xi32, #tpu.memory_space<vmem>>
        %dma_wait3A_122 = tpu.memref_squeeze %dma_wait3A_121 : memref<1x128xi32, #tpu.memory_space<vmem>> -> memref<128xi32, #tpu.memory_space<vmem>>
        %dma_wait3A_123 = arith.constant 0 : i32
        %dma_wait3A_124 = arith.constant 0 : i32
        %dma_wait3A_125 = tpu.memref_slice %arg11[%dma_wait3A_123, %dma_wait3A_124] : memref<10240x128xf32, #tpu.memory_space<vmem_shared>> -> memref<10240x128xf32, #tpu.memory_space<vmem_shared>>
        tpu.wait_indirect_dma semaphore(%run_scoped3A_113 : memref<!tpu.dma_semaphore, #tpu.memory_space<semaphore_mem>>) src(%arg10 : memref<128x128xf32, #tpu.memory_space<vmem>>) dst(%dma_wait3A_125 : memref<10240x128xf32, #tpu.memory_space<vmem_shared>>)
        tpu.yield
      }) : () -> ()
    }
    %scan3A_15 = arith.constant 19 : i32
    %dma_start3A_16 = arith.constant 39 : i32
    %dma_start3A_17 = arith.constant 0 : i32
    %dma_start3A_18 = tpu.memref_slice %arg7[%dma_start3A_16, %dma_start3A_17] : memref<40x128xi32, #tpu.memory_space<vmem>> -> memref<1x128xi32, #tpu.memory_space<vmem>>
    %dma_start3A_19 = tpu.memref_squeeze %dma_start3A_18 : memref<1x128xi32, #tpu.memory_space<vmem>> -> memref<128xi32, #tpu.memory_space<vmem>>
    %dma_start3A_20 = arith.constant 0 : i32
    %dma_start3A_21 = arith.constant 0 : i32
    %dma_start3A_22 = tpu.memref_slice %arg2[%dma_start3A_20, %dma_start3A_21] : memref<10240x128xf32, #tpu.memory_space<hbm>> -> memref<10240x128xf32, #tpu.memory_space<hbm>>
    tpu.enqueue_indirect_dma source(%dma_start3A_22 : memref<10240x128xf32, #tpu.memory_space<hbm>>) target(%arg10 : memref<128x128xf32, #tpu.memory_space<vmem>>) offsets(%dma_start3A_19 : memref<128xi32, #tpu.memory_space<vmem>>) semaphore(%arg13 : memref<!tpu.dma_semaphore, #tpu.memory_space<semaphore_mem>>)
    %dma_wait3A = arith.constant 38 : i32
    %dma_wait3A_23 = arith.constant 0 : i32
    %dma_wait3A_24 = tpu.memref_slice %arg7[%dma_wait3A, %dma_wait3A_23] : memref<40x128xi32, #tpu.memory_space<vmem>> -> memref<1x128xi32, #tpu.memory_space<vmem>>
    %dma_wait3A_25 = tpu.memref_squeeze %dma_wait3A_24 : memref<1x128xi32, #tpu.memory_space<vmem>> -> memref<128xi32, #tpu.memory_space<vmem>>
    %dma_wait3A_26 = arith.constant 0 : i32
    %dma_wait3A_27 = arith.constant 0 : i32
    %dma_wait3A_28 = tpu.memref_slice %arg2[%dma_wait3A_26, %dma_wait3A_27] : memref<10240x128xf32, #tpu.memory_space<hbm>> -> memref<10240x128xf32, #tpu.memory_space<hbm>>
    tpu.wait_indirect_dma semaphore(%arg12 : memref<!tpu.dma_semaphore, #tpu.memory_space<semaphore_mem>>) src(%dma_wait3A_28 : memref<10240x128xf32, #tpu.memory_space<hbm>>) dst(%arg9 : memref<128x128xf32, #tpu.memory_space<vmem>>)
    %run_scoped3A = arith.constant 38 : i32
    "tpu.region"() ({
      %run_scoped3A_78 = tpu.sem_alloc : memref<!tpu.dma_semaphore, #tpu.memory_space<semaphore_mem>>
      %dma_start3A_79 = arith.constant 0 : i32
      %dma_start3A_80 = tpu.memref_slice %arg8[%run_scoped3A, %dma_start3A_79] : memref<40x128xi32, #tpu.memory_space<vmem>> -> memref<1x128xi32, #tpu.memory_space<vmem>>
      %dma_start3A_81 = tpu.memref_squeeze %dma_start3A_80 : memref<1x128xi32, #tpu.memory_space<vmem>> -> memref<128xi32, #tpu.memory_space<vmem>>
      %dma_start3A_82 = arith.constant 0 : i32
      %dma_start3A_83 = arith.constant 0 : i32
      %dma_start3A_84 = tpu.memref_slice %arg11[%dma_start3A_82, %dma_start3A_83] : memref<10240x128xf32, #tpu.memory_space<vmem_shared>> -> memref<10240x128xf32, #tpu.memory_space<vmem_shared>>
      tpu.enqueue_indirect_dma source(%arg9 : memref<128x128xf32, #tpu.memory_space<vmem>>) target(%dma_start3A_84 : memref<10240x128xf32, #tpu.memory_space<vmem_shared>>) offsets(%dma_start3A_81 : memref<128xi32, #tpu.memory_space<vmem>>) semaphore(%run_scoped3A_78 : memref<!tpu.dma_semaphore, #tpu.memory_space<semaphore_mem>>) {add = true}
      %dma_wait3A_85 = arith.constant 0 : i32
      %dma_wait3A_86 = tpu.memref_slice %arg8[%run_scoped3A, %dma_wait3A_85] : memref<40x128xi32, #tpu.memory_space<vmem>> -> memref<1x128xi32, #tpu.memory_space<vmem>>
      %dma_wait3A_87 = tpu.memref_squeeze %dma_wait3A_86 : memref<1x128xi32, #tpu.memory_space<vmem>> -> memref<128xi32, #tpu.memory_space<vmem>>
      %dma_wait3A_88 = arith.constant 0 : i32
      %dma_wait3A_89 = arith.constant 0 : i32
      %dma_wait3A_90 = tpu.memref_slice %arg11[%dma_wait3A_88, %dma_wait3A_89] : memref<10240x128xf32, #tpu.memory_space<vmem_shared>> -> memref<10240x128xf32, #tpu.memory_space<vmem_shared>>
      tpu.wait_indirect_dma semaphore(%run_scoped3A_78 : memref<!tpu.dma_semaphore, #tpu.memory_space<semaphore_mem>>) src(%arg9 : memref<128x128xf32, #tpu.memory_space<vmem>>) dst(%dma_wait3A_90 : memref<10240x128xf32, #tpu.memory_space<vmem_shared>>)
      tpu.yield
    }) : () -> ()
    %dma_wait3A_29 = arith.constant 39 : i32
    %dma_wait3A_30 = arith.constant 0 : i32
    %dma_wait3A_31 = tpu.memref_slice %arg7[%dma_wait3A_29, %dma_wait3A_30] : memref<40x128xi32, #tpu.memory_space<vmem>> -> memref<1x128xi32, #tpu.memory_space<vmem>>
    %dma_wait3A_32 = tpu.memref_squeeze %dma_wait3A_31 : memref<1x128xi32, #tpu.memory_space<vmem>> -> memref<128xi32, #tpu.memory_space<vmem>>
    %dma_wait3A_33 = arith.constant 0 : i32
    %dma_wait3A_34 = arith.constant 0 : i32
    %dma_wait3A_35 = tpu.memref_slice %arg2[%dma_wait3A_33, %dma_wait3A_34] : memref<10240x128xf32, #tpu.memory_space<hbm>> -> memref<10240x128xf32, #tpu.memory_space<hbm>>
    tpu.wait_indirect_dma semaphore(%arg13 : memref<!tpu.dma_semaphore, #tpu.memory_space<semaphore_mem>>) src(%dma_wait3A_35 : memref<10240x128xf32, #tpu.memory_space<hbm>>) dst(%arg10 : memref<128x128xf32, #tpu.memory_space<vmem>>)
    %run_scoped3A_36 = arith.constant 39 : i32
    "tpu.region"() ({
      %run_scoped3A_78 = tpu.sem_alloc : memref<!tpu.dma_semaphore, #tpu.memory_space<semaphore_mem>>
      %dma_start3A_79 = arith.constant 0 : i32
      %dma_start3A_80 = tpu.memref_slice %arg8[%run_scoped3A_36, %dma_start3A_79] : memref<40x128xi32, #tpu.memory_space<vmem>> -> memref<1x128xi32, #tpu.memory_space<vmem>>
      %dma_start3A_81 = tpu.memref_squeeze %dma_start3A_80 : memref<1x128xi32, #tpu.memory_space<vmem>> -> memref<128xi32, #tpu.memory_space<vmem>>
      %dma_start3A_82 = arith.constant 0 : i32
      %dma_start3A_83 = arith.constant 0 : i32
      %dma_start3A_84 = tpu.memref_slice %arg11[%dma_start3A_82, %dma_start3A_83] : memref<10240x128xf32, #tpu.memory_space<vmem_shared>> -> memref<10240x128xf32, #tpu.memory_space<vmem_shared>>
      tpu.enqueue_indirect_dma source(%arg10 : memref<128x128xf32, #tpu.memory_space<vmem>>) target(%dma_start3A_84 : memref<10240x128xf32, #tpu.memory_space<vmem_shared>>) offsets(%dma_start3A_81 : memref<128xi32, #tpu.memory_space<vmem>>) semaphore(%run_scoped3A_78 : memref<!tpu.dma_semaphore, #tpu.memory_space<semaphore_mem>>) {add = true}
      %dma_wait3A_85 = arith.constant 0 : i32
      %dma_wait3A_86 = tpu.memref_slice %arg8[%run_scoped3A_36, %dma_wait3A_85] : memref<40x128xi32, #tpu.memory_space<vmem>> -> memref<1x128xi32, #tpu.memory_space<vmem>>
      %dma_wait3A_87 = tpu.memref_squeeze %dma_wait3A_86 : memref<1x128xi32, #tpu.memory_space<vmem>> -> memref<128xi32, #tpu.memory_space<vmem>>
      %dma_wait3A_88 = arith.constant 0 : i32
      %dma_wait3A_89 = arith.constant 0 : i32
      %dma_wait3A_90 = tpu.memref_slice %arg11[%dma_wait3A_88, %dma_wait3A_89] : memref<10240x128xf32, #tpu.memory_space<vmem_shared>> -> memref<10240x128xf32, #tpu.memory_space<vmem_shared>>
      tpu.wait_indirect_dma semaphore(%run_scoped3A_78 : memref<!tpu.dma_semaphore, #tpu.memory_space<semaphore_mem>>) src(%arg10 : memref<128x128xf32, #tpu.memory_space<vmem>>) dst(%dma_wait3A_90 : memref<10240x128xf32, #tpu.memory_space<vmem_shared>>)
      tpu.yield
    }) : () -> ()
    "tpu.region"() ({
      %run_scoped3A_78 = tpu.sem_alloc : memref<!tpu.dma_semaphore, #tpu.memory_space<semaphore_mem>>
      %dma_start3A_79 = arith.constant 40 : i32
      %dma_start3A_80 = arith.constant 0 : i32
      %dma_start3A_81 = tpu.memref_slice %arg3[%add3A, %dma_start3A_79, %dma_start3A_80] : memref<32x80x128xi32, #tpu.memory_space<hbm>> -> memref<1x40x128xi32, #tpu.memory_space<hbm>>
      %dma_start3A_82 = tpu.memref_squeeze %dma_start3A_81 : memref<1x40x128xi32, #tpu.memory_space<hbm>> -> memref<40x128xi32, #tpu.memory_space<hbm>>
      %dma_start3A_83 = arith.constant 40 : i32
      %dma_start3A_84 = arith.constant 0 : i32
      %dma_start3A_85 = tpu.memref_slice %arg3[%add3A, %dma_start3A_83, %dma_start3A_84] : memref<32x80x128xi32, #tpu.memory_space<hbm>> -> memref<1x40x128xi32, #tpu.memory_space<hbm>>
      %dma_start3A_86 = tpu.memref_squeeze %dma_start3A_85 : memref<1x40x128xi32, #tpu.memory_space<hbm>> -> memref<40x128xi32, #tpu.memory_space<hbm>>
      tpu.enqueue_dma source(%dma_start3A_86 : memref<40x128xi32, #tpu.memory_space<hbm>>) target(%arg7 : memref<40x128xi32, #tpu.memory_space<vmem>>) target_semaphore(%run_scoped3A_78 : memref<!tpu.dma_semaphore, #tpu.memory_space<semaphore_mem>>)
      %dma_wait3A_87 = arith.constant 40 : i32
      %dma_wait3A_88 = arith.constant 0 : i32
      %dma_wait3A_89 = tpu.memref_slice %arg3[%add3A, %dma_wait3A_87, %dma_wait3A_88] : memref<32x80x128xi32, #tpu.memory_space<hbm>> -> memref<1x40x128xi32, #tpu.memory_space<hbm>>
      %dma_wait3A_90 = tpu.memref_squeeze %dma_wait3A_89 : memref<1x40x128xi32, #tpu.memory_space<hbm>> -> memref<40x128xi32, #tpu.memory_space<hbm>>
      %dma_wait3A_91 = arith.constant 40 : i32
      %dma_wait3A_92 = arith.constant 0 : i32
      %dma_wait3A_93 = tpu.memref_slice %arg3[%add3A, %dma_wait3A_91, %dma_wait3A_92] : memref<32x80x128xi32, #tpu.memory_space<hbm>> -> memref<1x40x128xi32, #tpu.memory_space<hbm>>
      %dma_wait3A_94 = tpu.memref_squeeze %dma_wait3A_93 : memref<1x40x128xi32, #tpu.memory_space<hbm>> -> memref<40x128xi32, #tpu.memory_space<hbm>>
      tpu.wait_dma2 semaphore(%run_scoped3A_78 : memref<!tpu.dma_semaphore, #tpu.memory_space<semaphore_mem>>) src(%dma_wait3A_94 : memref<40x128xi32, #tpu.memory_space<hbm>>) dst(%arg7 : memref<40x128xi32, #tpu.memory_space<vmem>>)
      tpu.yield
    }) : () -> ()
    "tpu.region"() ({
      %run_scoped3A_78 = tpu.sem_alloc : memref<!tpu.dma_semaphore, #tpu.memory_space<semaphore_mem>>
      %dma_start3A_79 = arith.constant 40 : i32
      %dma_start3A_80 = arith.constant 0 : i32
      %dma_start3A_81 = tpu.memref_slice %arg4[%add3A, %dma_start3A_79, %dma_start3A_80] : memref<32x80x128xi32, #tpu.memory_space<hbm>> -> memref<1x40x128xi32, #tpu.memory_space<hbm>>
      %dma_start3A_82 = tpu.memref_squeeze %dma_start3A_81 : memref<1x40x128xi32, #tpu.memory_space<hbm>> -> memref<40x128xi32, #tpu.memory_space<hbm>>
      %dma_start3A_83 = arith.constant 40 : i32
      %dma_start3A_84 = arith.constant 0 : i32
      %dma_start3A_85 = tpu.memref_slice %arg4[%add3A, %dma_start3A_83, %dma_start3A_84] : memref<32x80x128xi32, #tpu.memory_space<hbm>> -> memref<1x40x128xi32, #tpu.memory_space<hbm>>
      %dma_start3A_86 = tpu.memref_squeeze %dma_start3A_85 : memref<1x40x128xi32, #tpu.memory_space<hbm>> -> memref<40x128xi32, #tpu.memory_space<hbm>>
      tpu.enqueue_dma source(%dma_start3A_86 : memref<40x128xi32, #tpu.memory_space<hbm>>) target(%arg8 : memref<40x128xi32, #tpu.memory_space<vmem>>) target_semaphore(%run_scoped3A_78 : memref<!tpu.dma_semaphore, #tpu.memory_space<semaphore_mem>>)
      %dma_wait3A_87 = arith.constant 40 : i32
      %dma_wait3A_88 = arith.constant 0 : i32
      %dma_wait3A_89 = tpu.memref_slice %arg4[%add3A, %dma_wait3A_87, %dma_wait3A_88] : memref<32x80x128xi32, #tpu.memory_space<hbm>> -> memref<1x40x128xi32, #tpu.memory_space<hbm>>
      %dma_wait3A_90 = tpu.memref_squeeze %dma_wait3A_89 : memref<1x40x128xi32, #tpu.memory_space<hbm>> -> memref<40x128xi32, #tpu.memory_space<hbm>>
      %dma_wait3A_91 = arith.constant 40 : i32
      %dma_wait3A_92 = arith.constant 0 : i32
      %dma_wait3A_93 = tpu.memref_slice %arg4[%add3A, %dma_wait3A_91, %dma_wait3A_92] : memref<32x80x128xi32, #tpu.memory_space<hbm>> -> memref<1x40x128xi32, #tpu.memory_space<hbm>>
      %dma_wait3A_94 = tpu.memref_squeeze %dma_wait3A_93 : memref<1x40x128xi32, #tpu.memory_space<hbm>> -> memref<40x128xi32, #tpu.memory_space<hbm>>
      tpu.wait_dma2 semaphore(%run_scoped3A_78 : memref<!tpu.dma_semaphore, #tpu.memory_space<semaphore_mem>>) src(%dma_wait3A_94 : memref<40x128xi32, #tpu.memory_space<hbm>>) dst(%arg8 : memref<40x128xi32, #tpu.memory_space<vmem>>)
      tpu.yield
    }) : () -> ()
    %dma_start3A_37 = arith.constant 0 : i32
    %dma_start3A_38 = arith.constant 0 : i32
    %dma_start3A_39 = tpu.memref_slice %arg7[%dma_start3A_37, %dma_start3A_38] : memref<40x128xi32, #tpu.memory_space<vmem>> -> memref<1x128xi32, #tpu.memory_space<vmem>>
    %dma_start3A_40 = tpu.memref_squeeze %dma_start3A_39 : memref<1x128xi32, #tpu.memory_space<vmem>> -> memref<128xi32, #tpu.memory_space<vmem>>
    %dma_start3A_41 = arith.constant 0 : i32
    %dma_start3A_42 = arith.constant 0 : i32
    %dma_start3A_43 = tpu.memref_slice %arg2[%dma_start3A_41, %dma_start3A_42] : memref<10240x128xf32, #tpu.memory_space<hbm>> -> memref<10240x128xf32, #tpu.memory_space<hbm>>
    tpu.enqueue_indirect_dma source(%dma_start3A_43 : memref<10240x128xf32, #tpu.memory_space<hbm>>) target(%arg9 : memref<128x128xf32, #tpu.memory_space<vmem>>) offsets(%dma_start3A_40 : memref<128xi32, #tpu.memory_space<vmem>>) semaphore(%arg12 : memref<!tpu.dma_semaphore, #tpu.memory_space<semaphore_mem>>)
    %scan3A_44 = arith.constant 0 : i32
    %scan3A_45 = arith.constant 0 : i32
    %scan3A_46 = arith.constant 19 : i32
    %scan3A_47 = arith.addi %scan3A_45, %scan3A_46 : i32
    %scan3A_48 = arith.constant 1 : i32
    scf.for %scan3A_78 = %scan3A_45 to %scan3A_47 step %scan3A_48  : i32 {
      %mul3A_79 = arith.constant 2 : i32
      %mul3A_80 = arith.muli %mul3A_79, %scan3A_78 : i32
      %add3A_81 = arith.constant 1 : i32
      %add3A_82 = arith.addi %mul3A_80, %add3A_81 : i32
      %dma_start3A_83 = arith.constant 0 : i32
      %dma_start3A_84 = tpu.memref_slice %arg7[%add3A_82, %dma_start3A_83] : memref<40x128xi32, #tpu.memory_space<vmem>> -> memref<1x128xi32, #tpu.memory_space<vmem>>
      %dma_start3A_85 = tpu.memref_squeeze %dma_start3A_84 : memref<1x128xi32, #tpu.memory_space<vmem>> -> memref<128xi32, #tpu.memory_space<vmem>>
      %dma_start3A_86 = arith.constant 0 : i32
      %dma_start3A_87 = arith.constant 0 : i32
      %dma_start3A_88 = tpu.memref_slice %arg2[%dma_start3A_86, %dma_start3A_87] : memref<10240x128xf32, #tpu.memory_space<hbm>> -> memref<10240x128xf32, #tpu.memory_space<hbm>>
      tpu.enqueue_indirect_dma source(%dma_start3A_88 : memref<10240x128xf32, #tpu.memory_space<hbm>>) target(%arg10 : memref<128x128xf32, #tpu.memory_space<vmem>>) offsets(%dma_start3A_85 : memref<128xi32, #tpu.memory_space<vmem>>) semaphore(%arg13 : memref<!tpu.dma_semaphore, #tpu.memory_space<semaphore_mem>>)
      %dma_wait3A_89 = arith.constant 0 : i32
      %dma_wait3A_90 = tpu.memref_slice %arg7[%mul3A_80, %dma_wait3A_89] : memref<40x128xi32, #tpu.memory_space<vmem>> -> memref<1x128xi32, #tpu.memory_space<vmem>>
      %dma_wait3A_91 = tpu.memref_squeeze %dma_wait3A_90 : memref<1x128xi32, #tpu.memory_space<vmem>> -> memref<128xi32, #tpu.memory_space<vmem>>
      %dma_wait3A_92 = arith.constant 0 : i32
      %dma_wait3A_93 = arith.constant 0 : i32
      %dma_wait3A_94 = tpu.memref_slice %arg2[%dma_wait3A_92, %dma_wait3A_93] : memref<10240x128xf32, #tpu.memory_space<hbm>> -> memref<10240x128xf32, #tpu.memory_space<hbm>>
      tpu.wait_indirect_dma semaphore(%arg12 : memref<!tpu.dma_semaphore, #tpu.memory_space<semaphore_mem>>) src(%dma_wait3A_94 : memref<10240x128xf32, #tpu.memory_space<hbm>>) dst(%arg9 : memref<128x128xf32, #tpu.memory_space<vmem>>)
      "tpu.region"() ({
        %run_scoped3A_113 = tpu.sem_alloc : memref<!tpu.dma_semaphore, #tpu.memory_space<semaphore_mem>>
        %dma_start3A_114 = arith.constant 0 : i32
        %dma_start3A_115 = tpu.memref_slice %arg8[%mul3A_80, %dma_start3A_114] : memref<40x128xi32, #tpu.memory_space<vmem>> -> memref<1x128xi32, #tpu.memory_space<vmem>>
        %dma_start3A_116 = tpu.memref_squeeze %dma_start3A_115 : memref<1x128xi32, #tpu.memory_space<vmem>> -> memref<128xi32, #tpu.memory_space<vmem>>
        %dma_start3A_117 = arith.constant 0 : i32
        %dma_start3A_118 = arith.constant 0 : i32
        %dma_start3A_119 = tpu.memref_slice %arg11[%dma_start3A_117, %dma_start3A_118] : memref<10240x128xf32, #tpu.memory_space<vmem_shared>> -> memref<10240x128xf32, #tpu.memory_space<vmem_shared>>
        tpu.enqueue_indirect_dma source(%arg9 : memref<128x128xf32, #tpu.memory_space<vmem>>) target(%dma_start3A_119 : memref<10240x128xf32, #tpu.memory_space<vmem_shared>>) offsets(%dma_start3A_116 : memref<128xi32, #tpu.memory_space<vmem>>) semaphore(%run_scoped3A_113 : memref<!tpu.dma_semaphore, #tpu.memory_space<semaphore_mem>>) {add = true}
        %dma_wait3A_120 = arith.constant 0 : i32
        %dma_wait3A_121 = tpu.memref_slice %arg8[%mul3A_80, %dma_wait3A_120] : memref<40x128xi32, #tpu.memory_space<vmem>> -> memref<1x128xi32, #tpu.memory_space<vmem>>
        %dma_wait3A_122 = tpu.memref_squeeze %dma_wait3A_121 : memref<1x128xi32, #tpu.memory_space<vmem>> -> memref<128xi32, #tpu.memory_space<vmem>>
        %dma_wait3A_123 = arith.constant 0 : i32
        %dma_wait3A_124 = arith.constant 0 : i32
        %dma_wait3A_125 = tpu.memref_slice %arg11[%dma_wait3A_123, %dma_wait3A_124] : memref<10240x128xf32, #tpu.memory_space<vmem_shared>> -> memref<10240x128xf32, #tpu.memory_space<vmem_shared>>
        tpu.wait_indirect_dma semaphore(%run_scoped3A_113 : memref<!tpu.dma_semaphore, #tpu.memory_space<semaphore_mem>>) src(%arg9 : memref<128x128xf32, #tpu.memory_space<vmem>>) dst(%dma_wait3A_125 : memref<10240x128xf32, #tpu.memory_space<vmem_shared>>)
        tpu.yield
      }) : () -> ()
      %add3A_95 = arith.constant 2 : i32
      %add3A_96 = arith.addi %mul3A_80, %add3A_95 : i32
      %dma_start3A_97 = arith.constant 0 : i32
      %dma_start3A_98 = tpu.memref_slice %arg7[%add3A_96, %dma_start3A_97] : memref<40x128xi32, #tpu.memory_space<vmem>> -> memref<1x128xi32, #tpu.memory_space<vmem>>
      %dma_start3A_99 = tpu.memref_squeeze %dma_start3A_98 : memref<1x128xi32, #tpu.memory_space<vmem>> -> memref<128xi32, #tpu.memory_space<vmem>>
      %dma_start3A_100 = arith.constant 0 : i32
      %dma_start3A_101 = arith.constant 0 : i32
      %dma_start3A_102 = tpu.memref_slice %arg2[%dma_start3A_100, %dma_start3A_101] : memref<10240x128xf32, #tpu.memory_space<hbm>> -> memref<10240x128xf32, #tpu.memory_space<hbm>>
      tpu.enqueue_indirect_dma source(%dma_start3A_102 : memref<10240x128xf32, #tpu.memory_space<hbm>>) target(%arg9 : memref<128x128xf32, #tpu.memory_space<vmem>>) offsets(%dma_start3A_99 : memref<128xi32, #tpu.memory_space<vmem>>) semaphore(%arg12 : memref<!tpu.dma_semaphore, #tpu.memory_space<semaphore_mem>>)
      %add3A_103 = arith.constant 1 : i32
      %add3A_104 = arith.addi %mul3A_80, %add3A_103 : i32
      %dma_wait3A_105 = arith.constant 0 : i32
      %dma_wait3A_106 = tpu.memref_slice %arg7[%add3A_104, %dma_wait3A_105] : memref<40x128xi32, #tpu.memory_space<vmem>> -> memref<1x128xi32, #tpu.memory_space<vmem>>
      %dma_wait3A_107 = tpu.memref_squeeze %dma_wait3A_106 : memref<1x128xi32, #tpu.memory_space<vmem>> -> memref<128xi32, #tpu.memory_space<vmem>>
      %dma_wait3A_108 = arith.constant 0 : i32
      %dma_wait3A_109 = arith.constant 0 : i32
      %dma_wait3A_110 = tpu.memref_slice %arg2[%dma_wait3A_108, %dma_wait3A_109] : memref<10240x128xf32, #tpu.memory_space<hbm>> -> memref<10240x128xf32, #tpu.memory_space<hbm>>
      tpu.wait_indirect_dma semaphore(%arg13 : memref<!tpu.dma_semaphore, #tpu.memory_space<semaphore_mem>>) src(%dma_wait3A_110 : memref<10240x128xf32, #tpu.memory_space<hbm>>) dst(%arg10 : memref<128x128xf32, #tpu.memory_space<vmem>>)
      %add3A_111 = arith.constant 1 : i32
      %add3A_112 = arith.addi %mul3A_80, %add3A_111 : i32
      "tpu.region"() ({
        %run_scoped3A_113 = tpu.sem_alloc : memref<!tpu.dma_semaphore, #tpu.memory_space<semaphore_mem>>
        %dma_start3A_114 = arith.constant 0 : i32
        %dma_start3A_115 = tpu.memref_slice %arg8[%add3A_112, %dma_start3A_114] : memref<40x128xi32, #tpu.memory_space<vmem>> -> memref<1x128xi32, #tpu.memory_space<vmem>>
        %dma_start3A_116 = tpu.memref_squeeze %dma_start3A_115 : memref<1x128xi32, #tpu.memory_space<vmem>> -> memref<128xi32, #tpu.memory_space<vmem>>
        %dma_start3A_117 = arith.constant 0 : i32
        %dma_start3A_118 = arith.constant 0 : i32
        %dma_start3A_119 = tpu.memref_slice %arg11[%dma_start3A_117, %dma_start3A_118] : memref<10240x128xf32, #tpu.memory_space<vmem_shared>> -> memref<10240x128xf32, #tpu.memory_space<vmem_shared>>
        tpu.enqueue_indirect_dma source(%arg10 : memref<128x128xf32, #tpu.memory_space<vmem>>) target(%dma_start3A_119 : memref<10240x128xf32, #tpu.memory_space<vmem_shared>>) offsets(%dma_start3A_116 : memref<128xi32, #tpu.memory_space<vmem>>) semaphore(%run_scoped3A_113 : memref<!tpu.dma_semaphore, #tpu.memory_space<semaphore_mem>>) {add = true}
        %dma_wait3A_120 = arith.constant 0 : i32
        %dma_wait3A_121 = tpu.memref_slice %arg8[%add3A_112, %dma_wait3A_120] : memref<40x128xi32, #tpu.memory_space<vmem>> -> memref<1x128xi32, #tpu.memory_space<vmem>>
        %dma_wait3A_122 = tpu.memref_squeeze %dma_wait3A_121 : memref<1x128xi32, #tpu.memory_space<vmem>> -> memref<128xi32, #tpu.memory_space<vmem>>
        %dma_wait3A_123 = arith.constant 0 : i32
        %dma_wait3A_124 = arith.constant 0 : i32
        %dma_wait3A_125 = tpu.memref_slice %arg11[%dma_wait3A_123, %dma_wait3A_124] : memref<10240x128xf32, #tpu.memory_space<vmem_shared>> -> memref<10240x128xf32, #tpu.memory_space<vmem_shared>>
        tpu.wait_indirect_dma semaphore(%run_scoped3A_113 : memref<!tpu.dma_semaphore, #tpu.memory_space<semaphore_mem>>) src(%arg10 : memref<128x128xf32, #tpu.memory_space<vmem>>) dst(%dma_wait3A_125 : memref<10240x128xf32, #tpu.memory_space<vmem_shared>>)
        tpu.yield
      }) : () -> ()
    }
    %scan3A_49 = arith.constant 19 : i32
    %dma_start3A_50 = arith.constant 39 : i32
    %dma_start3A_51 = arith.constant 0 : i32
    %dma_start3A_52 = tpu.memref_slice %arg7[%dma_start3A_50, %dma_start3A_51] : memref<40x128xi32, #tpu.memory_space<vmem>> -> memref<1x128xi32, #tpu.memory_space<vmem>>
    %dma_start3A_53 = tpu.memref_squeeze %dma_start3A_52 : memref<1x128xi32, #tpu.memory_space<vmem>> -> memref<128xi32, #tpu.memory_space<vmem>>
    %dma_start3A_54 = arith.constant 0 : i32
    %dma_start3A_55 = arith.constant 0 : i32
    %dma_start3A_56 = tpu.memref_slice %arg2[%dma_start3A_54, %dma_start3A_55] : memref<10240x128xf32, #tpu.memory_space<hbm>> -> memref<10240x128xf32, #tpu.memory_space<hbm>>
    tpu.enqueue_indirect_dma source(%dma_start3A_56 : memref<10240x128xf32, #tpu.memory_space<hbm>>) target(%arg10 : memref<128x128xf32, #tpu.memory_space<vmem>>) offsets(%dma_start3A_53 : memref<128xi32, #tpu.memory_space<vmem>>) semaphore(%arg13 : memref<!tpu.dma_semaphore, #tpu.memory_space<semaphore_mem>>)
    %dma_wait3A_57 = arith.constant 38 : i32
    %dma_wait3A_58 = arith.constant 0 : i32
    %dma_wait3A_59 = tpu.memref_slice %arg7[%dma_wait3A_57, %dma_wait3A_58] : memref<40x128xi32, #tpu.memory_space<vmem>> -> memref<1x128xi32, #tpu.memory_space<vmem>>
    %dma_wait3A_60 = tpu.memref_squeeze %dma_wait3A_59 : memref<1x128xi32, #tpu.memory_space<vmem>> -> memref<128xi32, #tpu.memory_space<vmem>>
    %dma_wait3A_61 = arith.constant 0 : i32
    %dma_wait3A_62 = arith.constant 0 : i32
    %dma_wait3A_63 = tpu.memref_slice %arg2[%dma_wait3A_61, %dma_wait3A_62] : memref<10240x128xf32, #tpu.memory_space<hbm>> -> memref<10240x128xf32, #tpu.memory_space<hbm>>
    tpu.wait_indirect_dma semaphore(%arg12 : memref<!tpu.dma_semaphore, #tpu.memory_space<semaphore_mem>>) src(%dma_wait3A_63 : memref<10240x128xf32, #tpu.memory_space<hbm>>) dst(%arg9 : memref<128x128xf32, #tpu.memory_space<vmem>>)
    %run_scoped3A_64 = arith.constant 38 : i32
    "tpu.region"() ({
      %run_scoped3A_78 = tpu.sem_alloc : memref<!tpu.dma_semaphore, #tpu.memory_space<semaphore_mem>>
      %dma_start3A_79 = arith.constant 0 : i32
      %dma_start3A_80 = tpu.memref_slice %arg8[%run_scoped3A_64, %dma_start3A_79] : memref<40x128xi32, #tpu.memory_space<vmem>> -> memref<1x128xi32, #tpu.memory_space<vmem>>
      %dma_start3A_81 = tpu.memref_squeeze %dma_start3A_80 : memref<1x128xi32, #tpu.memory_space<vmem>> -> memref<128xi32, #tpu.memory_space<vmem>>
      %dma_start3A_82 = arith.constant 0 : i32
      %dma_start3A_83 = arith.constant 0 : i32
      %dma_start3A_84 = tpu.memref_slice %arg11[%dma_start3A_82, %dma_start3A_83] : memref<10240x128xf32, #tpu.memory_space<vmem_shared>> -> memref<10240x128xf32, #tpu.memory_space<vmem_shared>>
      tpu.enqueue_indirect_dma source(%arg9 : memref<128x128xf32, #tpu.memory_space<vmem>>) target(%dma_start3A_84 : memref<10240x128xf32, #tpu.memory_space<vmem_shared>>) offsets(%dma_start3A_81 : memref<128xi32, #tpu.memory_space<vmem>>) semaphore(%run_scoped3A_78 : memref<!tpu.dma_semaphore, #tpu.memory_space<semaphore_mem>>) {add = true}
      %dma_wait3A_85 = arith.constant 0 : i32
      %dma_wait3A_86 = tpu.memref_slice %arg8[%run_scoped3A_64, %dma_wait3A_85] : memref<40x128xi32, #tpu.memory_space<vmem>> -> memref<1x128xi32, #tpu.memory_space<vmem>>
      %dma_wait3A_87 = tpu.memref_squeeze %dma_wait3A_86 : memref<1x128xi32, #tpu.memory_space<vmem>> -> memref<128xi32, #tpu.memory_space<vmem>>
      %dma_wait3A_88 = arith.constant 0 : i32
      %dma_wait3A_89 = arith.constant 0 : i32
      %dma_wait3A_90 = tpu.memref_slice %arg11[%dma_wait3A_88, %dma_wait3A_89] : memref<10240x128xf32, #tpu.memory_space<vmem_shared>> -> memref<10240x128xf32, #tpu.memory_space<vmem_shared>>
      tpu.wait_indirect_dma semaphore(%run_scoped3A_78 : memref<!tpu.dma_semaphore, #tpu.memory_space<semaphore_mem>>) src(%arg9 : memref<128x128xf32, #tpu.memory_space<vmem>>) dst(%dma_wait3A_90 : memref<10240x128xf32, #tpu.memory_space<vmem_shared>>)
      tpu.yield
    }) : () -> ()
    %dma_wait3A_65 = arith.constant 39 : i32
    %dma_wait3A_66 = arith.constant 0 : i32
    %dma_wait3A_67 = tpu.memref_slice %arg7[%dma_wait3A_65, %dma_wait3A_66] : memref<40x128xi32, #tpu.memory_space<vmem>> -> memref<1x128xi32, #tpu.memory_space<vmem>>
    %dma_wait3A_68 = tpu.memref_squeeze %dma_wait3A_67 : memref<1x128xi32, #tpu.memory_space<vmem>> -> memref<128xi32, #tpu.memory_space<vmem>>
    %dma_wait3A_69 = arith.constant 0 : i32
    %dma_wait3A_70 = arith.constant 0 : i32
    %dma_wait3A_71 = tpu.memref_slice %arg2[%dma_wait3A_69, %dma_wait3A_70] : memref<10240x128xf32, #tpu.memory_space<hbm>> -> memref<10240x128xf32, #tpu.memory_space<hbm>>
    tpu.wait_indirect_dma semaphore(%arg13 : memref<!tpu.dma_semaphore, #tpu.memory_space<semaphore_mem>>) src(%dma_wait3A_71 : memref<10240x128xf32, #tpu.memory_space<hbm>>) dst(%arg10 : memref<128x128xf32, #tpu.memory_space<vmem>>)
    %run_scoped3A_72 = arith.constant 39 : i32
    "tpu.region"() ({
      %run_scoped3A_78 = tpu.sem_alloc : memref<!tpu.dma_semaphore, #tpu.memory_space<semaphore_mem>>
      %dma_start3A_79 = arith.constant 0 : i32
      %dma_start3A_80 = tpu.memref_slice %arg8[%run_scoped3A_72, %dma_start3A_79] : memref<40x128xi32, #tpu.memory_space<vmem>> -> memref<1x128xi32, #tpu.memory_space<vmem>>
      %dma_start3A_81 = tpu.memref_squeeze %dma_start3A_80 : memref<1x128xi32, #tpu.memory_space<vmem>> -> memref<128xi32, #tpu.memory_space<vmem>>
      %dma_start3A_82 = arith.constant 0 : i32
      %dma_start3A_83 = arith.constant 0 : i32
      %dma_start3A_84 = tpu.memref_slice %arg11[%dma_start3A_82, %dma_start3A_83] : memref<10240x128xf32, #tpu.memory_space<vmem_shared>> -> memref<10240x128xf32, #tpu.memory_space<vmem_shared>>
      tpu.enqueue_indirect_dma source(%arg10 : memref<128x128xf32, #tpu.memory_space<vmem>>) target(%dma_start3A_84 : memref<10240x128xf32, #tpu.memory_space<vmem_shared>>) offsets(%dma_start3A_81 : memref<128xi32, #tpu.memory_space<vmem>>) semaphore(%run_scoped3A_78 : memref<!tpu.dma_semaphore, #tpu.memory_space<semaphore_mem>>) {add = true}
      %dma_wait3A_85 = arith.constant 0 : i32
      %dma_wait3A_86 = tpu.memref_slice %arg8[%run_scoped3A_72, %dma_wait3A_85] : memref<40x128xi32, #tpu.memory_space<vmem>> -> memref<1x128xi32, #tpu.memory_space<vmem>>
      %dma_wait3A_87 = tpu.memref_squeeze %dma_wait3A_86 : memref<1x128xi32, #tpu.memory_space<vmem>> -> memref<128xi32, #tpu.memory_space<vmem>>
      %dma_wait3A_88 = arith.constant 0 : i32
      %dma_wait3A_89 = arith.constant 0 : i32
      %dma_wait3A_90 = tpu.memref_slice %arg11[%dma_wait3A_88, %dma_wait3A_89] : memref<10240x128xf32, #tpu.memory_space<vmem_shared>> -> memref<10240x128xf32, #tpu.memory_space<vmem_shared>>
      tpu.wait_indirect_dma semaphore(%run_scoped3A_78 : memref<!tpu.dma_semaphore, #tpu.memory_space<semaphore_mem>>) src(%arg10 : memref<128x128xf32, #tpu.memory_space<vmem>>) dst(%dma_wait3A_90 : memref<10240x128xf32, #tpu.memory_space<vmem_shared>>)
      tpu.yield
    }) : () -> ()
    %barrier3A_73 = arith.constant 0 : index
    tpu.barrier barrier_id(%barrier3A_73)
    %mul3A_74 = arith.constant 640 : i32
    %mul3A_75 = arith.muli %arg1, %mul3A_74 : i32
    %mul3A_76 = arith.constant 640 : i32
    %mul3A_77 = arith.muli %arg1, %mul3A_76 : i32
    "tpu.region"() ({
      %run_scoped3A_78 = tpu.sem_alloc : memref<!tpu.dma_semaphore, #tpu.memory_space<semaphore_mem>>
      %dma_start3A_79 = arith.constant 0 : i32
      %dma_start3A_80 = tpu.memref_slice %arg6[%arg0, %mul3A_77, %dma_start3A_79] : memref<2x10240x128xf32, #tpu.memory_space<hbm>> -> memref<1x640x128xf32, #tpu.memory_space<hbm>>
      %dma_start3A_81 = tpu.memref_squeeze %dma_start3A_80 : memref<1x640x128xf32, #tpu.memory_space<hbm>> -> memref<640x128xf32, #tpu.memory_space<hbm>>
      %dma_start3A_82 = arith.constant 0 : i32
      %dma_start3A_83 = tpu.memref_slice %arg11[%mul3A_75, %dma_start3A_82] : memref<10240x128xf32, #tpu.memory_space<vmem_shared>> -> memref<640x128xf32, #tpu.memory_space<vmem_shared>>
      tpu.enqueue_dma source(%dma_start3A_83 : memref<640x128xf32, #tpu.memory_space<vmem_shared>>) target(%dma_start3A_81 : memref<640x128xf32, #tpu.memory_space<hbm>>) target_semaphore(%run_scoped3A_78 : memref<!tpu.dma_semaphore, #tpu.memory_space<semaphore_mem>>)
      %dma_wait3A_84 = arith.constant 0 : i32
      %dma_wait3A_85 = tpu.memref_slice %arg6[%arg0, %mul3A_77, %dma_wait3A_84] : memref<2x10240x128xf32, #tpu.memory_space<hbm>> -> memref<1x640x128xf32, #tpu.memory_space<hbm>>
      %dma_wait3A_86 = tpu.memref_squeeze %dma_wait3A_85 : memref<1x640x128xf32, #tpu.memory_space<hbm>> -> memref<640x128xf32, #tpu.memory_space<hbm>>
      %dma_wait3A_87 = arith.constant 0 : i32
      %dma_wait3A_88 = tpu.memref_slice %arg11[%mul3A_75, %dma_wait3A_87] : memref<10240x128xf32, #tpu.memory_space<vmem_shared>> -> memref<640x128xf32, #tpu.memory_space<vmem_shared>>
      tpu.wait_dma2 semaphore(%run_scoped3A_78 : memref<!tpu.dma_semaphore, #tpu.memory_space<semaphore_mem>>) src(%dma_wait3A_88 : memref<640x128xf32, #tpu.memory_space<vmem_shared>>) dst(%dma_wait3A_86 : memref<640x128xf32, #tpu.memory_space<hbm>>)
      tpu.yield
    }) : () -> ()
    return
  }
}

#map = affine_map<(d0, d1) -> (0, 0, 0, 0)>
#map1 = affine_map<(d0, d1) -> (0)>
#map2 = affine_map<(d0, d1) -> (0, 0)>
module attributes {stable_mosaic.version = 14 : i64} {
  func.func @_hist(%arg0: i32, %arg1: i32, %arg2: memref<32x2x80x128xi32, #tpu.memory_space<hbm>>, %arg3: memref<20480xf32, #tpu.memory_space<hbm>>, %arg4: memref<32x20480xf32, #tpu.memory_space<hbm>>, %arg5: memref<2x80x128xi32, #tpu.memory_space<vmem>>, %arg6: memref<20480xf32, #tpu.memory_space<vmem>>) attributes {dimension_semantics = [#tpu.dimension_semantics<core_parallel>, #tpu.dimension_semantics<subcore_parallel>], iteration_bounds = array<i64: 2, 16>, scalar_prefetch = 0 : i64, scratch_operands = 2 : i64, tpu.core_type = #tpu.core_type<sc_vector_subcore>, window_params = [{transform_indices = #map}, {transform_indices = #map1}, {transform_indices = #map2}]} {
    %mul3A = arith.constant 2 : i32
    %mul3A_0 = arith.muli %arg1, %mul3A : i32
    %add3A = arith.addi %mul3A_0, %arg0 : i32
    "tpu.region"() ({
      %run_scoped3A = tpu.sem_alloc : memref<!tpu.dma_semaphore, #tpu.memory_space<semaphore_mem>>
      tpu.enqueue_dma source(%arg3 : memref<20480xf32, #tpu.memory_space<hbm>>) target(%arg6 : memref<20480xf32, #tpu.memory_space<vmem>>) target_semaphore(%run_scoped3A : memref<!tpu.dma_semaphore, #tpu.memory_space<semaphore_mem>>)
      tpu.wait_dma2 semaphore(%run_scoped3A : memref<!tpu.dma_semaphore, #tpu.memory_space<semaphore_mem>>) src(%arg3 : memref<20480xf32, #tpu.memory_space<hbm>>) dst(%arg6 : memref<20480xf32, #tpu.memory_space<vmem>>)
      tpu.yield
    }) : () -> ()
    "tpu.region"() ({
      %run_scoped3A = tpu.sem_alloc : memref<!tpu.dma_semaphore, #tpu.memory_space<semaphore_mem>>
      %dma_start3A = arith.constant 0 : i32
      %dma_start3A_7 = arith.constant 0 : i32
      %dma_start3A_8 = arith.constant 0 : i32
      %dma_start3A_9 = tpu.memref_slice %arg2[%add3A, %dma_start3A, %dma_start3A_7, %dma_start3A_8] : memref<32x2x80x128xi32, #tpu.memory_space<hbm>> -> memref<1x2x80x128xi32, #tpu.memory_space<hbm>>
      %dma_start3A_10 = tpu.memref_squeeze %dma_start3A_9 : memref<1x2x80x128xi32, #tpu.memory_space<hbm>> -> memref<2x80x128xi32, #tpu.memory_space<hbm>>
      %dma_start3A_11 = arith.constant 0 : i32
      %dma_start3A_12 = arith.constant 0 : i32
      %dma_start3A_13 = arith.constant 0 : i32
      %dma_start3A_14 = tpu.memref_slice %arg2[%add3A, %dma_start3A_11, %dma_start3A_12, %dma_start3A_13] : memref<32x2x80x128xi32, #tpu.memory_space<hbm>> -> memref<1x2x80x128xi32, #tpu.memory_space<hbm>>
      %dma_start3A_15 = tpu.memref_squeeze %dma_start3A_14 : memref<1x2x80x128xi32, #tpu.memory_space<hbm>> -> memref<2x80x128xi32, #tpu.memory_space<hbm>>
      tpu.enqueue_dma source(%dma_start3A_15 : memref<2x80x128xi32, #tpu.memory_space<hbm>>) target(%arg5 : memref<2x80x128xi32, #tpu.memory_space<vmem>>) target_semaphore(%run_scoped3A : memref<!tpu.dma_semaphore, #tpu.memory_space<semaphore_mem>>)
      %dma_wait3A = arith.constant 0 : i32
      %dma_wait3A_16 = arith.constant 0 : i32
      %dma_wait3A_17 = arith.constant 0 : i32
      %dma_wait3A_18 = tpu.memref_slice %arg2[%add3A, %dma_wait3A, %dma_wait3A_16, %dma_wait3A_17] : memref<32x2x80x128xi32, #tpu.memory_space<hbm>> -> memref<1x2x80x128xi32, #tpu.memory_space<hbm>>
      %dma_wait3A_19 = tpu.memref_squeeze %dma_wait3A_18 : memref<1x2x80x128xi32, #tpu.memory_space<hbm>> -> memref<2x80x128xi32, #tpu.memory_space<hbm>>
      %dma_wait3A_20 = arith.constant 0 : i32
      %dma_wait3A_21 = arith.constant 0 : i32
      %dma_wait3A_22 = arith.constant 0 : i32
      %dma_wait3A_23 = tpu.memref_slice %arg2[%add3A, %dma_wait3A_20, %dma_wait3A_21, %dma_wait3A_22] : memref<32x2x80x128xi32, #tpu.memory_space<hbm>> -> memref<1x2x80x128xi32, #tpu.memory_space<hbm>>
      %dma_wait3A_24 = tpu.memref_squeeze %dma_wait3A_23 : memref<1x2x80x128xi32, #tpu.memory_space<hbm>> -> memref<2x80x128xi32, #tpu.memory_space<hbm>>
      tpu.wait_dma2 semaphore(%run_scoped3A : memref<!tpu.dma_semaphore, #tpu.memory_space<semaphore_mem>>) src(%dma_wait3A_24 : memref<2x80x128xi32, #tpu.memory_space<hbm>>) dst(%arg5 : memref<2x80x128xi32, #tpu.memory_space<vmem>>)
      tpu.yield
    }) : () -> ()
    %broadcast_in_dim3A = arith.constant 1.000000e+00 : f32
    %broadcast_in_dim3A_1 = vector.broadcast %broadcast_in_dim3A : f32 to vector<16xf32>
    %scan3A = arith.constant 0 : i32
    %scan3A_2 = arith.constant 0 : i32
    %scan3A_3 = arith.constant 80 : i32
    %scan3A_4 = arith.addi %scan3A_2, %scan3A_3 : i32
    %scan3A_5 = arith.constant 1 : i32
    scf.for %scan3A_7 = %scan3A_2 to %scan3A_4 step %scan3A_5  : i32 {
      %scan3A_8 = arith.constant 0 : i32
      %scan3A_9 = arith.constant 8 : i32
      %scan3A_10 = arith.addi %scan3A_8, %scan3A_9 : i32
      %scan3A_11 = arith.constant 1 : i32
      scf.for %scan3A_13 = %scan3A_8 to %scan3A_10 step %scan3A_11  : i32 {
        %mul3A_14 = arith.constant 16 : i32
        %mul3A_15 = arith.muli %scan3A_13, %mul3A_14 : i32
        %get3A = arith.constant 0 : i32
        %get3A_16 = arith.index_cast %get3A : i32 to index
        %get3A_17 = arith.index_cast %scan3A_7 : i32 to index
        %get3A_18 = arith.index_cast %mul3A_15 : i32 to index
        %get3A_19 = tpu.vector_load %arg5[%get3A_16, %get3A_17, %get3A_18] {strides = array<i32>} : memref<2x80x128xi32, #tpu.memory_space<vmem>>, vector<16xi32>,
        tpu.vector_store_idx %arg6[%get3A_19], %broadcast_in_dim3A_1 {add = true} : memref<20480xf32, #tpu.memory_space<vmem>>[vector<16xi32>], vector<16xf32>,
        %mul3A_20 = arith.constant 16 : i32
        %mul3A_21 = arith.muli %scan3A_13, %mul3A_20 : i32
        %get3A_22 = arith.constant 1 : i32
        %get3A_23 = arith.index_cast %get3A_22 : i32 to index
        %get3A_24 = arith.index_cast %scan3A_7 : i32 to index
        %get3A_25 = arith.index_cast %mul3A_21 : i32 to index
        %get3A_26 = tpu.vector_load %arg5[%get3A_23, %get3A_24, %get3A_25] {strides = array<i32>} : memref<2x80x128xi32, #tpu.memory_space<vmem>>, vector<16xi32>,
        %add3A_27 = arith.constant 10240 : i32
        %add3A_28 = vector.broadcast %add3A_27 : i32 to vector<16xi32>
        %add3A_29 = arith.addi %get3A_26, %add3A_28 : vector<16xi32>
        tpu.vector_store_idx %arg6[%add3A_29], %broadcast_in_dim3A_1 {add = true} : memref<20480xf32, #tpu.memory_space<vmem>>[vector<16xi32>], vector<16xf32>,
      }
      %scan3A_12 = arith.constant 8 : i32
    }
    %scan3A_6 = arith.constant 80 : i32
    "tpu.region"() ({
      %run_scoped3A = tpu.sem_alloc : memref<!tpu.dma_semaphore, #tpu.memory_space<semaphore_mem>>
      %dma_start3A = arith.constant 0 : i32
      %dma_start3A_7 = tpu.memref_slice %arg4[%add3A, %dma_start3A] : memref<32x20480xf32, #tpu.memory_space<hbm>> -> memref<1x20480xf32, #tpu.memory_space<hbm>>
      %dma_start3A_8 = tpu.memref_squeeze %dma_start3A_7 : memref<1x20480xf32, #tpu.memory_space<hbm>> -> memref<20480xf32, #tpu.memory_space<hbm>>
      %dma_start3A_9 = arith.constant 0 : i32
      %dma_start3A_10 = tpu.memref_slice %arg4[%add3A, %dma_start3A_9] : memref<32x20480xf32, #tpu.memory_space<hbm>> -> memref<1x20480xf32, #tpu.memory_space<hbm>>
      %dma_start3A_11 = tpu.memref_squeeze %dma_start3A_10 : memref<1x20480xf32, #tpu.memory_space<hbm>> -> memref<20480xf32, #tpu.memory_space<hbm>>
      tpu.enqueue_dma source(%arg6 : memref<20480xf32, #tpu.memory_space<vmem>>) target(%dma_start3A_11 : memref<20480xf32, #tpu.memory_space<hbm>>) target_semaphore(%run_scoped3A : memref<!tpu.dma_semaphore, #tpu.memory_space<semaphore_mem>>)
      %dma_wait3A = arith.constant 0 : i32
      %dma_wait3A_12 = tpu.memref_slice %arg4[%add3A, %dma_wait3A] : memref<32x20480xf32, #tpu.memory_space<hbm>> -> memref<1x20480xf32, #tpu.memory_space<hbm>>
      %dma_wait3A_13 = tpu.memref_squeeze %dma_wait3A_12 : memref<1x20480xf32, #tpu.memory_space<hbm>> -> memref<20480xf32, #tpu.memory_space<hbm>>
      %dma_wait3A_14 = arith.constant 0 : i32
      %dma_wait3A_15 = tpu.memref_slice %arg4[%add3A, %dma_wait3A_14] : memref<32x20480xf32, #tpu.memory_space<hbm>> -> memref<1x20480xf32, #tpu.memory_space<hbm>>
      %dma_wait3A_16 = tpu.memref_squeeze %dma_wait3A_15 : memref<1x20480xf32, #tpu.memory_space<hbm>> -> memref<20480xf32, #tpu.memory_space<hbm>>
      tpu.wait_dma2 semaphore(%run_scoped3A : memref<!tpu.dma_semaphore, #tpu.memory_space<semaphore_mem>>) src(%arg6 : memref<20480xf32, #tpu.memory_space<vmem>>) dst(%dma_wait3A_16 : memref<20480xf32, #tpu.memory_space<hbm>>)
      tpu.yield
    }) : () -> ()
    return
  }
}

module attributes {stable_mosaic.version = 14 : i64} {
  func.func @_xw_body(%arg0: i32, %arg1: memref<512x128xf32, #tpu.memory_space<vmem>>, %arg2: memref<32x512xf32, #tpu.memory_space<vmem>>, %arg3: memref<128x128xf32, #tpu.memory_space<vmem>>, %arg4: memref<512x128xf32, #tpu.memory_space<vmem>>) attributes {dimension_semantics = [#tpu.dimension_semantics<arbitrary>], iteration_bounds = array<i64: 20>, scalar_prefetch = 0 : i64, scratch_operands = 0 : i64, tpu.core_type = #tpu.core_type<tc>, window_params = [{transform_indices = @transform_0, window_bounds = array<i64: 512, 128>}, {transform_indices = @transform_1, window_bounds = array<i64: 32, 512>}, {pipeline_mode = #tpu.pipeline_mode<synchronous>, transform_indices = @transform_2, window_bounds = array<i64: 128, 128>}, {transform_indices = @transform_3, window_bounds = array<i64: 512, 128>}]} {
    %get3A = arith.constant 0 : index
    %get3A_0 = arith.constant 0 : index
    %get3A_1 = vector.load %arg2[%get3A, %get3A_0] : memref<32x512xf32, #tpu.memory_space<vmem>>, vector<32x512xf32>
    %reduce_sum3A = arith.constant dense<0.000000e+00> : vector<512xf32>
    %reduce_sum3A_2 = vector.multi_reduction <add>, %get3A_1, %reduce_sum3A [0] : vector<32x512xf32> to vector<512xf32>
    %broadcast_in_dim3A = vector.shape_cast %reduce_sum3A_2 : vector<512xf32> to vector<512x1xf32>
    %gt3A = arith.constant 0.000000e+00 : f32
    %gt3A_3 = vector.broadcast %gt3A : f32 to vector<512x1xf32>
    %gt3A_4 = arith.cmpf ogt, %broadcast_in_dim3A, %gt3A_3 : vector<512x1xf32>
    %rsqrt3A = math.rsqrt %broadcast_in_dim3A : vector<512x1xf32>
    %jit3A = arith.constant 0.000000e+00 : f32
    %broadcast_in_dim3A_5 = vector.broadcast %jit3A : f32 to vector<512x1xf32>
    %select_n3A = arith.select %gt3A_4, %rsqrt3A, %broadcast_in_dim3A_5 : vector<512x1xi1>, vector<512x1xf32>
    %get3A_6 = arith.constant 0 : index
    %get3A_7 = arith.constant 0 : index
    %get3A_8 = vector.load %arg1[%get3A_6, %get3A_7] : memref<512x128xf32, #tpu.memory_space<vmem>>, vector<512x128xf32>
    %mul3A = vector.broadcast %select_n3A : vector<512x1xf32> to vector<512x128xf32>
    %mul3A_9 = arith.mulf %get3A_8, %mul3A : vector<512x128xf32>
    %get3A_10 = arith.constant 0 : index
    %get3A_11 = arith.constant 0 : index
    %get3A_12 = vector.load %arg3[%get3A_10, %get3A_11] : memref<128x128xf32, #tpu.memory_space<vmem>>, vector<128x128xf32>
    %dot_general3A = arith.constant dense<0.000000e+00> : vector<512x128xf32>
    %dot_general3A_13 = tpu.matmul %mul3A_9, %get3A_12, %dot_general3A {dimension_numbers = #tpu.dot_dimension_numbers<[1], [0], [0], [1], [0, 0, 1, 1], [], []>, transpose_lhs_hint = false} : vector<512x128xf32>, vector<128x128xf32>, vector<512x128xf32> -> vector<512x128xf32>
    %swap3A = arith.constant 0 : index
    %swap3A_14 = arith.constant 0 : index
    %swap3A_15 = vector.load %arg4[%swap3A, %swap3A_14] : memref<512x128xf32, #tpu.memory_space<vmem>>, vector<512x128xf32>
    tpu.vector_store %arg4[%swap3A, %swap3A_14], %dot_general3A_13 {strides = array<i32>} : memref<512x128xf32, #tpu.memory_space<vmem>>, vector<512x128xf32>,
    return
  }
  func.func @transform_0(%arg0: i32) -> (i32, i32) {
    %c0_i32 = arith.constant 0 : i32
    %c0_i32_0 = arith.constant 0 : i32
    return %arg0, %c0_i32 : i32, i32
  }
  func.func @transform_1(%arg0: i32) -> (i32, i32) {
    %c0_i32 = arith.constant 0 : i32
    %c0_i32_0 = arith.constant 0 : i32
    return %c0_i32, %arg0 : i32, i32
  }
  func.func @transform_2(%arg0: i32) -> (i32, i32) {
    %c0_i32 = arith.constant 0 : i32
    %c0_i32_0 = arith.constant 0 : i32
    %c0_i32_1 = arith.constant 0 : i32
    return %c0_i32, %c0_i32_0 : i32, i32
  }
  func.func @transform_3(%arg0: i32) -> (i32, i32) {
    %c0_i32 = arith.constant 0 : i32
    %c0_i32_0 = arith.constant 0 : i32
    return %arg0, %c0_i32 : i32, i32
  }
}

module attributes {stable_mosaic.version = 14 : i64} {
  func.func @_final_body(%arg0: i32, %arg1: memref<2x512x128xf32, #tpu.memory_space<vmem>>, %arg2: memref<32x512xf32, #tpu.memory_space<vmem>>, %arg3: memref<1x128xf32, #tpu.memory_space<vmem>>, %arg4: memref<1x1xf32, #tpu.memory_space<vmem>>, %arg5: memref<512x128xf32, #tpu.memory_space<vmem>>, %arg6: memref<1x128xf32, #tpu.memory_space<vmem>>) attributes {dimension_semantics = [#tpu.dimension_semantics<arbitrary>], iteration_bounds = array<i64: 20>, scalar_prefetch = 0 : i64, scratch_operands = 0 : i64, tpu.core_type = #tpu.core_type<tc>, window_params = [{transform_indices = @transform_0, window_bounds = array<i64: 2, 512, 128>}, {transform_indices = @transform_1, window_bounds = array<i64: 32, 512>}, {pipeline_mode = #tpu.pipeline_mode<synchronous>, transform_indices = @transform_2, window_bounds = array<i64: 1, 128>}, {pipeline_mode = #tpu.pipeline_mode<synchronous>, transform_indices = @transform_3, window_bounds = array<i64: 1, 1>}, {transform_indices = @transform_4, window_bounds = array<i64: 512, 128>}, {pipeline_mode = #tpu.pipeline_mode<synchronous>, transform_indices = @transform_5, window_bounds = array<i64: 1, 128>}]} {
    %get3A = arith.constant 0 : index
    %get3A_0 = arith.constant 0 : index
    %get3A_1 = arith.constant 0 : index
    %get3A_2 = vector.load %arg1[%get3A, %get3A_0, %get3A_1] : memref<2x512x128xf32, #tpu.memory_space<vmem>>, vector<1x512x128xf32>
    %get3A_3 = vector.shape_cast %get3A_2 : vector<1x512x128xf32> to vector<512x128xf32>
    %get3A_4 = arith.constant 1 : index
    %get3A_5 = arith.constant 0 : index
    %get3A_6 = arith.constant 0 : index
    %get3A_7 = vector.load %arg1[%get3A_4, %get3A_5, %get3A_6] : memref<2x512x128xf32, #tpu.memory_space<vmem>>, vector<1x512x128xf32>
    %get3A_8 = vector.shape_cast %get3A_7 : vector<1x512x128xf32> to vector<512x128xf32>
    %add3A = arith.addf %get3A_3, %get3A_8 : vector<512x128xf32>
    %get3A_9 = arith.constant 0 : index
    %get3A_10 = arith.constant 0 : index
    %get3A_11 = vector.load %arg2[%get3A_9, %get3A_10] : memref<32x512xf32, #tpu.memory_space<vmem>>, vector<32x512xf32>
    %reduce_sum3A = arith.constant dense<0.000000e+00> : vector<512xf32>
    %reduce_sum3A_12 = vector.multi_reduction <add>, %get3A_11, %reduce_sum3A [0] : vector<32x512xf32> to vector<512xf32>
    %broadcast_in_dim3A = vector.shape_cast %reduce_sum3A_12 : vector<512xf32> to vector<512x1xf32>
    %gt3A = arith.constant 0.000000e+00 : f32
    %gt3A_13 = vector.broadcast %gt3A : f32 to vector<512x1xf32>
    %gt3A_14 = arith.cmpf ogt, %broadcast_in_dim3A, %gt3A_13 : vector<512x1xf32>
    %rsqrt3A = math.rsqrt %broadcast_in_dim3A : vector<512x1xf32>
    %jit3A = arith.constant 0.000000e+00 : f32
    %broadcast_in_dim3A_15 = vector.broadcast %jit3A : f32 to vector<512x1xf32>
    %select_n3A = arith.select %gt3A_14, %rsqrt3A, %broadcast_in_dim3A_15 : vector<512x1xi1>, vector<512x1xf32>
    %mul3A = vector.broadcast %select_n3A : vector<512x1xf32> to vector<512x128xf32>
    %mul3A_16 = arith.mulf %add3A, %mul3A : vector<512x128xf32>
    %get3A_17 = arith.constant 0 : index
    %get3A_18 = arith.constant 0 : index
    %get3A_19 = vector.load %arg3[%get3A_17, %get3A_18] : memref<1x128xf32, #tpu.memory_space<vmem>>, vector<1x128xf32>
    %add3A_20 = vector.broadcast %get3A_19 : vector<1x128xf32> to vector<512x128xf32>
    %add3A_21 = arith.addf %mul3A_16, %add3A_20 : vector<512x128xf32>
    %get3A_22 = arith.constant 0 : index
    %get3A_23 = arith.constant 0 : index
    %get3A_24 = vector.load %arg4[%get3A_22, %get3A_23] : memref<1x1xf32, #tpu.memory_space<vmem>>, vector<1x1xf32>
    %get3A_25 = vector.extract %get3A_24[0, 0] : f32 from vector<1x1xf32>
    %max3A = arith.constant 0.000000e+00 : f32
    %max3A_26 = vector.broadcast %max3A : f32 to vector<512x128xf32>
    %max3A_27 = arith.maximumf %add3A_21, %max3A_26 : vector<512x128xf32>
    %min3A = arith.constant 0.000000e+00 : f32
    %min3A_28 = vector.broadcast %min3A : f32 to vector<512x128xf32>
    %min3A_29 = arith.minimumf %add3A_21, %min3A_28 : vector<512x128xf32>
    %mul3A_30 = vector.broadcast %get3A_25 : f32 to vector<512x128xf32>
    %mul3A_31 = arith.mulf %mul3A_30, %min3A_29 : vector<512x128xf32>
    %add3A_32 = arith.addf %max3A_27, %mul3A_31 : vector<512x128xf32>
    %mul3A_33 = arith.constant 512 : i32
    %mul3A_34 = arith.muli %arg0, %mul3A_33 : i32
    %iota3A = tpu.iota {dimensions = array<i32: 0>} : vector<512x1xi32>
    %add3A_35 = vector.broadcast %mul3A_34 : i32 to vector<512x1xi32>
    %add3A_36 = arith.addi %add3A_35, %iota3A : vector<512x1xi32>
    %lt3A = arith.constant 10000 : i32
    %lt3A_37 = vector.broadcast %lt3A : i32 to vector<512x1xi32>
    %lt3A_38 = arith.cmpi slt, %add3A_36, %lt3A_37 : vector<512x1xi32>
    %jit3A_39 = arith.constant 0.000000e+00 : f32
    %broadcast_in_dim3A_40 = vector.shape_cast %lt3A_38 : vector<512x1xi1> to vector<512x1xi1>
    %broadcast_in_dim3A_41 = vector.broadcast %broadcast_in_dim3A_40 : vector<512x1xi1> to vector<512x128xi1>
    %broadcast_in_dim3A_42 = vector.broadcast %jit3A_39 : f32 to vector<512x128xf32>
    %select_n3A_43 = arith.select %broadcast_in_dim3A_41, %add3A_32, %broadcast_in_dim3A_42 : vector<512x128xi1>, vector<512x128xf32>
    %swap3A = arith.constant 0 : index
    %swap3A_44 = arith.constant 0 : index
    %swap3A_45 = vector.load %arg5[%swap3A, %swap3A_44] : memref<512x128xf32, #tpu.memory_space<vmem>>, vector<512x128xf32>
    tpu.vector_store %arg5[%swap3A, %swap3A_44], %select_n3A_43 {strides = array<i32>} : memref<512x128xf32, #tpu.memory_space<vmem>>, vector<512x128xf32>,
    %eq3A = arith.constant 0 : i32
    %eq3A_46 = arith.cmpi eq, %arg0, %eq3A : i32
    %convert_element_type3A = arith.extui %eq3A_46 : i1 to i32
    %cond3A = arith.constant 0 : i32
    %cond3A_47 = arith.cmpi ne, %convert_element_type3A, %cond3A : i32
    scf.if %cond3A_47 {
      %broadcast_in_dim3A_58 = arith.constant 0.000000e+00 : f32
      %broadcast_in_dim3A_59 = vector.broadcast %broadcast_in_dim3A_58 : f32 to vector<1x128xf32>
      %swap3A_60 = arith.constant 0 : index
      %swap3A_61 = arith.constant 0 : index
      %swap3A_62 = vector.load %arg6[%swap3A_60, %swap3A_61] : memref<1x128xf32, #tpu.memory_space<vmem>>, vector<1x128xf32>
      tpu.vector_store %arg6[%swap3A_60, %swap3A_61], %broadcast_in_dim3A_59 {strides = array<i32>} : memref<1x128xf32, #tpu.memory_space<vmem>>, vector<1x128xf32>,
    } else {
    }
    %get3A_48 = arith.constant 0 : index
    %get3A_49 = arith.constant 0 : index
    %get3A_50 = vector.load %arg6[%get3A_48, %get3A_49] : memref<1x128xf32, #tpu.memory_space<vmem>>, vector<1x128xf32>
    %reduce_sum3A_51 = arith.constant dense<0.000000e+00> : vector<128xf32>
    %reduce_sum3A_52 = vector.multi_reduction <add>, %select_n3A_43, %reduce_sum3A_51 [0] : vector<512x128xf32> to vector<128xf32>
    %broadcast_in_dim3A_53 = vector.shape_cast %reduce_sum3A_52 : vector<128xf32> to vector<1x128xf32>
    %add3A_54 = arith.addf %get3A_50, %broadcast_in_dim3A_53 : vector<1x128xf32>
    %swap3A_55 = arith.constant 0 : index
    %swap3A_56 = arith.constant 0 : index
    %swap3A_57 = vector.load %arg6[%swap3A_55, %swap3A_56] : memref<1x128xf32, #tpu.memory_space<vmem>>, vector<1x128xf32>
    tpu.vector_store %arg6[%swap3A_55, %swap3A_56], %add3A_54 {strides = array<i32>} : memref<1x128xf32, #tpu.memory_space<vmem>>, vector<1x128xf32>,
    return
  }
  func.func @transform_0(%arg0: i32) -> (i32, i32, i32) {
    %c0_i32 = arith.constant 0 : i32
    %c0_i32_0 = arith.constant 0 : i32
    %c0_i32_1 = arith.constant 0 : i32
    return %c0_i32, %arg0, %c0_i32_0 : i32, i32, i32
  }
  func.func @transform_1(%arg0: i32) -> (i32, i32) {
    %c0_i32 = arith.constant 0 : i32
    %c0_i32_0 = arith.constant 0 : i32
    return %c0_i32, %arg0 : i32, i32
  }
  func.func @transform_2(%arg0: i32) -> (i32, i32) {
    %c0_i32 = arith.constant 0 : i32
    %c0_i32_0 = arith.constant 0 : i32
    %c0_i32_1 = arith.constant 0 : i32
    return %c0_i32, %c0_i32_0 : i32, i32
  }
  func.func @transform_3(%arg0: i32) -> (i32, i32) {
    %c0_i32 = arith.constant 0 : i32
    %c0_i32_0 = arith.constant 0 : i32
    %c0_i32_1 = arith.constant 0 : i32
    return %c0_i32, %c0_i32_0 : i32, i32
  }
  func.func @transform_4(%arg0: i32) -> (i32, i32) {
    %c0_i32 = arith.constant 0 : i32
    %c0_i32_0 = arith.constant 0 : i32
    return %arg0, %c0_i32 : i32, i32
  }
  func.func @transform_5(%arg0: i32) -> (i32, i32) {
    %c0_i32 = arith.constant 0 : i32
    %c0_i32_0 = arith.constant 0 : i32
    %c0_i32_1 = arith.constant 0 : i32
    return %c0_i32, %c0_i32_0 : i32, i32
  }
}

</mosaic_0001>

<sc_bundles>
// kernel: kernel.6.cloned.1.call-start
scs
__scs_entry_jumppad:
0x0: {  	(pc) =	sbr.rel $0x88, $3  }
0x1: {  	(tag) =	ssettag $0x0;
	lr =	simm.s32 $0x1  }
0x2: {  	[smem:$0x3F9C] =	sst lr;
	_ =	strace $0xD0000000  }
0x3: {  	_ = 	snop  }
0x4: {  	_ = 	snop  }
0x5: {  	_ = 	snop  }
0x6: {  	_ = 	snop  }
0x7: {  	_ = 	snop  }
__scs_overlays_trampoline_lowered:
0x8: {  	[smem:$0x3FAB] =	sst s0  }
0x9: {  	[smem:$0x3FAC] =	sst s1  }
0xa: {  	[smem:$0x3FAD] =	sst s2  }
0xb: {  	[smem:$0x3FAE] =	sst s3  }
0xc: {  	[smem:$0x3FAF] =	sst s4  }
0xd: {  	[smem:$0x3FB0] =	sst s5  }
0xe: {  	[smem:$0x3FB1] =	sst s6  }
0xf: {  	[smem:$0x3FB2] =	sst s7  }
0x10: {  	[smem:$0x3FB3] =	sst s8  }
0x11: {  	[smem:$0x3FB4] =	sst s9;
	s0 =	simm.s32 @!p0 $0x0  }
0x12: {  	s1 =	sld [smem:$0x3F9A];
	s0 =	simm.s32 @p0 $0x1  }
0x13: {  	[smem:$0x3FB5] =	sst s0;
	s0 =	simm.s32 @!p1 $0x0  }
0x14: {  	s2 =	sld [smem:$0x3F99];
	s0 =	simm.s32 @p1 $0x1  }
0x15: {  	[smem:$0x3FB6] =	sst s0;
	s0 =	simm.s32 @!p2 $0x0  }
0x16: {  	s3 =	sld [smem:$0x3FDB];
	s0 =	simm.s32 @p2 $0x1  }
0x17: {  	s4 =	simm.s32 $0x1BF5;
	[smem:$0x3FB8] =	sst s0  }
0x18: {  	s0 =	sld [smem:$0x3F9B];
	_ =	swait.ge [sflag:s4], $0x0  }
0x19: {  	s7 =	sld [smem:$0x3F9C]  }
0x1a: {  	s8 =	sadd.s32 $0xFFFFE003, lr  }
0x1b: {  	s9 =	sadd.s32 $0xFFFFFEF7, lr;
	s5 =	simm.s32 $0xFFFFFFFF;
	p2 =	slt.u32 s8, $0xFFFFF086  }
0x1c: {  	p1 =	slt.u32 s9, $0xF7A;
	s5 =	simm.s32 @!p2 $0x0  }
0x1d: {  	s5 =	simm.s32 @p1 $0x1;
	p0 =	seq.s32 s7, s2  }
0x1e: {  	s7 =	smul.u32 @!p0 $0xF7A, s2;
	p2 =	seq.s32 @!p0 s5, $0x0  }
0x1f: {  	s9 =	smul.u32 $0xF7A, s1;
	s8 =	simm.s32 @!p0 $0x1BF5;
	p2 =	por !p2, p0  }
0x20: {  	[sflag:s8] =	ssyncset.s32 @!p0 $0xFFFFF086;
	s6 =	sadd.s32 @!p0 s3, s7;
	s7 =	simm.s32 @!p0 $0x108  }
0x21: {  	s3 =	sadd.s32 s3, s9;
	s6 =	sadd.s32 @!p0 $0x88, s6;
	s7 =	simm.s32 @p2 $0x1082  }
0x22: {  	[simem:s7], [sflag:s8] =	dma.local @!p0 [hbm:s6], $0xF7A  }
0x23: {  	s9 =	sor.u32 $0xD0000000, s2;
	s6 =	simm.s32 $0x108;
	_ =	swait.ge @!p0 [sflag:s8], $0x0  }
0x24: {  	s3 =	sadd.s32 $0x88, s3;
	s6 =	simm.s32 @!p1 $0x1082;
	[sflag:s4] =	ssyncset.s32 $0xFFFFF086  }
0x25: {  	[simem:s6], [sflag:s4] =	dma.local [hbm:s3], $0xF7A  }
0x26: {  	[smem:$0x3F9C] =	sst s1;
	(tag) =	ssettag s2;
	_ =	strace s9  }
0x27: {  	s1 =	sld [smem:$0x3FAC]  }
0x28: {  	s2 =	sld [smem:$0x3FAD]  }
0x29: {  	s4 =	sld [smem:$0x3FAF]  }
0x2a: {  	p0 =	seq.s32 s5, $0x0;
	s5 =	sld [smem:$0x3FB0]  }
0x2b: {  	s6 =	sld [smem:$0x3FB1]  }
0x2c: {  	s7 =	sld [smem:$0x3FB2]  }
0x2d: {  	s3 =	simm.s32 $0x108;
	s8 =	sld [smem:$0x3FB3]  }
0x2e: {  	s3 =	simm.s32 @!p0 $0x1082;
	s9 =	sld [smem:$0x3FB4]  }
0x2f: {  	lr =	sadd.s32 s0, s3;
	s0 =	sld [smem:$0x3FAB]  }
0x30: {  	s3 =	sld [smem:$0x3FAE]  }
0x31: {  	[smem:$0x3FB7] =	sst s10  }
0x32: {  	s10 =	sld [smem:$0x3FB5];
	_ =	sdelay $0x3  }
0x33: {  	p0 =	seq.s32 s10, $0x1;
	s10 =	sld [smem:$0x3FB7];
	_ =	sdelay $0x3  }
0x34: {  	[smem:$0x3FB7] =	sst s10  }
0x35: {  	s10 =	sld [smem:$0x3FB6];
	_ =	sdelay $0x3  }
0x36: {  	p1 =	seq.s32 s10, $0x1;
	s10 =	sld [smem:$0x3FB7];
	_ =	sdelay $0x3  }
0x37: {  	[smem:$0x3FB7] =	sst s10  }
0x38: {  	s10 =	sld [smem:$0x3FB8]  }
0x39: {  	_ = 	snop;
	(pc) =	sbr.ind lr, $3  }
0x3a: {  	_ = 	snop  }
0x3b: {  	_ = 	snop  }
0x3c: {  	p2 =	seq.s32 s10, $0x1;
	s10 =	sld [smem:$0x3FB7]  }
0x3d: {  	_ =	shalt  }
0x3e: {  	_ =	shalt  }
0x3f: {  	_ =	shalt  }
0x40: {  	_ =	shalt  }
0x41: {  	_ =	shalt  }
0x42: {  	_ =	shalt  }
0x43: {  	_ =	shalt  }
0x44: {  	_ =	shalt  }
0x45: {  	_ =	shalt  }
0x46: {  	_ =	shalt  }
0x47: {  	_ =	shalt  }
0x48: {  	_ =	shalt  }
0x49: {  	_ =	shalt  }
0x4a: {  	_ =	shalt  }
0x4b: {  	_ =	shalt  }
0x4c: {  	_ =	shalt  }
0x4d: {  	_ =	shalt  }
0x4e: {  	_ =	shalt  }
0x4f: {  	_ =	shalt  }
0x50: {  	_ =	shalt  }
0x51: {  	_ =	shalt  }
0x52: {  	_ =	shalt  }
0x53: {  	_ =	shalt  }
0x54: {  	_ =	shalt  }
0x55: {  	_ =	shalt  }
0x56: {  	_ =	shalt  }
0x57: {  	_ =	shalt  }
0x58: {  	_ =	shalt  }
0x59: {  	_ =	shalt  }
0x5a: {  	_ =	shalt  }
0x5b: {  	_ =	shalt  }
0x5c: {  	_ =	shalt  }
0x5d: {  	_ =	shalt  }
0x5e: {  	_ =	shalt  }
0x5f: {  	_ =	shalt  }
0x60: {  	_ =	shalt  }
0x61: {  	_ =	shalt  }
0x62: {  	_ =	shalt  }
0x63: {  	_ =	shalt  }
0x64: {  	_ =	shalt  }
0x65: {  	_ =	shalt  }
0x66: {  	_ =	shalt  }
0x67: {  	_ =	shalt  }
0x68: {  	_ =	shalt  }
0x69: {  	_ =	shalt  }
0x6a: {  	_ =	shalt  }
0x6b: {  	_ =	shalt  }
0x6c: {  	_ =	shalt  }
0x6d: {  	_ =	shalt  }
0x6e: {  	_ =	shalt  }
0x6f: {  	_ =	shalt  }
0x70: {  	_ =	shalt  }
0x71: {  	_ =	shalt  }
0x72: {  	_ =	shalt  }
0x73: {  	_ =	shalt  }
0x74: {  	_ =	shalt  }
0x75: {  	_ =	shalt  }
0x76: {  	_ =	shalt  }
0x77: {  	_ =	shalt  }
0x78: {  	_ =	shalt  }
0x79: {  	_ =	shalt  }
0x7a: {  	_ =	shalt  }
0x7b: {  	_ =	shalt  }
0x7c: {  	_ =	shalt  }
0x7d: {  	_ =	shalt  }
0x7e: {  	_ =	shalt  }
0x7f: {  	_ =	shalt  }
0x80: {  	_ =	shalt  }
0x81: {  	_ =	shalt  }
0x82: {  	_ =	shalt  }
0x83: {  	_ =	shalt  }
0x84: {  	_ =	shalt  }
0x85: {  	_ =	shalt  }
0x86: {  	_ =	shalt  }
0x87: {  	_ =	shalt  }
.Lfunc_end0:
.L_simem_size_0:
called_computation_lowered:
.L_overlay_start_0:
0x88: {  	s2 =	sld [smem:$0x3FD9]  }
0x89: {  	s3 =	sld [smem:$0x3FFE];
	_ =	sdelay $0x1  }
0x8a: {  	s1 =	srdreg.scid  }
0x8b: {  	s0 =	sand.u32 $0x1, s1  }
0x8c: {  	s14 =	sshll.u32 s0, $0xA;
	s2 =	sadd.s32 s3, s2  }
0x8d: {  	s2 =	sadd.s32 s2, s14  }
0x8e: {  	[smem:$0x3FC3] =	sst s2  }
0x8f: {  	_ = 	snop  }
0x90: {  	s2 =	sld [smem:$0x3FD0];
	_ =	sdelay $0x2  }
0x91: {  	s15 =	simm.s32 $0xA;
	s4 =	simm.s32 $0x10  }
0x92: {  	[smem:s4], [sflag:s15] =	dma.local [hbm:s2], $0x1  }
0x93: {  	_ =	swait.eq [sflag:s15], $0x1  }
0x94: {  	[sflag:s15] =	ssyncset.done $0x0  }
0x95: {  	[sflag:s15] =	ssyncadd.s32 $0xFFFFFFFF  }
0x96: {  	s16 =	sld [smem:$0x10];
	(tm) =	ssettm $0x1  }
0x97: {  	s17 =	sld [smem:$0x3FFB];
	_ =	sdelay $0x3  }
0x98: {  	_ =	strace s17  }
0x99: {  	s3 =	sld [smem:$0x3FFC];
	_ =	sdelay $0x3  }
0x9a: {  	_ =	strace s3  }
0x9b: {  	s3 =	sld [smem:$0x3FFD];
	_ =	sdelay $0x3  }
0x9c: {  	_ =	strace s3  }
0x9d: {  	_ =	strace $0x8FFFFFFF  }
0x9e: {  	s18 =	sld [smem:$0x3FDB];
	_ =	sdelay $0x1  }
0x9f: {  	s19 =	simm.s32 $_scs_section_size  }
0xa0: {  	s5 =	simm.s32 $_size__tile_overlayer_lowered;
	s6 =	simm.s32 $_tile_overlayer_lowered  }
0xa1: {  	s22 =	simm.s32 $0x1BFF;
	s21 =	sshll.u32 s6, $0x1;
	s3 =	sadd.s32 s19, s18  }
0xa2: {  	s7 =	simm.s32 $0x0;
	s20 =	sshll.u32 s5, $0x1;
	s5 =	sadd.s32 s21, s3  }
0xa3: {  	[timem:s7], [sflag:s22] =	dma.local [hbm:s5], s20  }
0xa4: {  	_ =	swait.ge [sflag:s22], s20  }
0xa5: {  	s4 =	ssub.s32 $0x0, s20;
	[sflag:s22] =	ssyncset.done $0x0  }
0xa6: {  	[sflag:s22] =	ssyncadd.s32 s4;
	_ =	sdelay $0x1  }
0xa7: {  	s23 =	simm.s32 $0x1B8B  }
0xa8: {  	_ =	swait.ge [sflag:s23], $0x1  }
0xa9: {  	[sflag:s23] =	ssyncset.done $0x0  }
0xaa: {  	s25 =	simm.s32 $0x1B8E;
	s24 =	sld [smem:$0x3FFE];
	[sflag:s23] =	ssyncadd.s32 $0xFFFFFFFF  }
0xab: {  	s26 =	simm.s32 $execute0_lowered;
	[smem:$0x3FD2] =	sst s25  }
0xac: {  	s5 =	sshll.u32 s26, $0x1;
	_ =	strace $0x80000046;
	[dreg:$0x1] =	wrdreg $0xFFFFFFFF  }
0xad: {  	s28 =	simm.s32 $_size_execute0_lowered;
	s3 =	sadd.s32 s3, s5;
	[dreg:$0x0] =	wrdreg $0x0  }
0xae: {  	s5 =	sshll.u32 s28, $0x1;
	[dreg:$0x2] =	wrdreg s3  }
0xaf: {  	[dreg:$0x3] =	wrdreg s5  }
0xb0: {  	[dreg:$0x4] =	wrdreg $0xC0  }
0xb1: {  	_ =	task [dreg:s7], $0x5FFFF  }
0xb2: {  	[dreg:$0x1] =	wrdreg $0xFFFFFFFF  }
0xb3: {  	[dreg:$0x0] =	wrdreg $0x60  }
0xb4: {  	[dreg:$0x2] =	wrdreg s16  }
0xb5: {  	[dreg:$0x3] =	wrdreg s24  }
0xb6: {  	[dreg:$0x4] =	wrdreg $0x9  }
0xb7: {  	_ =	task.clear_ibuf [dreg:s7], $0x5FFFF;
	_ =	strace $0x90000046  }
0xb8: {  	s29 =	simm.s32 $0x9;
	_ =	strace $0x80000048  }
0xb9: {  	_ =	swait.ge [sflag:s29], $0x1  }
0xba: {  	[sflag:s29] =	ssyncadd.s32 $0xFFFFFFFF  }
0xbb: {  	_ =	strace $0x90000048  }
0xbc: {  	_ =	sfence  }
0xbd: {  	s30 =	sld [smem:$0x0];
	_ =	sdelay $0x2  }
0xbe: {  	s31 =	sshll.u32 s1, $0xD;
	s1 =	sshrl.u32 s1, $0x2  }
0xbf: {  	s3 =	sand.u32 $0x4000, s31;
	s1 =	sadd.s32 s1, s30  }
0xc0: {  	s0 =	sor.u32 s3, s0;
	s1 =	sshll.u32 s1, $0x11  }
0xc1: {  	s0 =	sor.u32 s1, s0  }
0xc2: {  	s0 =	sadd.s32 $0x8F2B, s0  }
0xc3: {  	[sflag:s0] =	ssyncadd.remote.s32 $0x1  }
0xc4: {  	_ =	sfence.sel $0xFFFF  }
0xc5: {  	[dreg:$0x0] =	wrdreg $0xFFFFFFFF;
	(pc) =	sbr.abs _section_cstart, $3  }
0xc6: {  	[dreg:$0x1] =	wrdreg $0xFFFFFFFF  }
0xc7: {  	_ =	task.clear_ibuf [dreg:s7], $0x2FFFF;
	_ =	strace $0x9FFFFFFF  }
0xc8: {  	(tm) =	ssettm $0x7FFFFFFF  }
0xc9: {  	_ =	shalt  }
tec
execute0_lowered:
.L_overlay_start_1:
0x0: {  	(tag) =	ssettag $0x1  }
0x1: {  	s4 =	rddreg [dreg:$0x0];
	s1 =	srdreg.scid  }
0x2: {  	s0 =	stileid.u32;
	s5 =	rddreg [dreg:$0x1]  }
0x3: {  	s9 =	simm.s32 $0x80;
	s10 =	simm.s32 $0x400;
	s11 =	simm.s32 $0x0  }
0x4: {  	s3 =	sand.u32 $0x1, s1;
	s2 =	sshll.u32 s0, $0x1;
	s1 =	rddreg [dreg:$0x2]  }
0x5: {  	s7 =	sshrl.u32 s0, $0x2;
	s6 =	sor.u32 s3, s2;
	s2 =	simm.s32 $0x0  }
0x6: {  	s7 =	smul.u32 $0x28000, s7;
	s30 =	ssub.s32 $0x2, s3;
	s8 =	sshll.u32 s6, $0x7  }
0x7: {  	s3 =	sadd.s32 $0x15A00, s5;
	s6 =	smul.u32 $0xA00, s6;
	s8 =	sand.u32 $0x380, s8  }
0x8: {  	[smem:$0x7FF] =	sst s2;
	s31 =	sshrl.u32 s30, $0x1;
	s7 =	sor.u32 s7, s8  }
0x9: {  	_ =	strace $0x80000047;
	s4 =	sadd.s32 s4, s6;
	s7 =	sshrl.u32 s7, $0x3  }
0xa: {  	s8 =	simm.s32 $0x1;
	s5 =	sadd.s32 s7, s5;
	s7 =	ssub.s32 s30, s31  }
0xb: {  	v0 =	vimm.f32 $1.000000000e+00;
	s5 =	sadd.s32 $0x16400, s5;
	s6 =	smax.u32 s7, $0x1;
	s7 =	simm.s32 $0x5000  }
.LBB2_1:
0xc: {  	[tilespmem:s7], [sflag:$0x1] =	stream.linear.gather [hbm4b:s3+s2], $0x5000, $0x38;
	[tilespmem:$0xA000] =	vst v63  }
0xd: {  	_ =	swait.ge [sflag:s8], $0x5000  }
0xe: {  	[sflag:s8] =	ssyncset.done $0x0  }
0xf: {  	[sflag:s8] =	ssyncadd.s32 $0xFFFFB000  }
0x10: {  	[tilespmem:s2], [sflag:$0x1] =	stream.linear.gather [hbm4b:s4+s2], $0x5000, $0x38;
	[tilespmem:$0xA000] =	vst v63  }
0x11: {  	_ =	swait.ge [sflag:s8], $0x5000  }
0x12: {  	[sflag:s8] =	ssyncset.done $0x0  }
0x13: {  	s12 =	simm.s32 $0x0;
	[sflag:s8] =	ssyncadd.s32 $0xFFFFB000  }
.LBB2_2:
0x14: {  	s13 =	sshra.s32 s12, $0x2  }
0x15: {  	v1 =	vld [tilespmem:s13+$0x0];
	_ =	sdelay $0x7  }
0x16: {  	[tilespmem:v1+s7+$0x0] =	vst.idx.add.f32.msk $0xffff, v0  }
0x17: {  	v1 =	vld [tilespmem:s13+$0x2800];
	_ =	sdelay $0x4  }
0x18: {  	v1 =	vadd.s32 $0x2800, v1;
	_ =	sdelay $0x4  }
0x19: {  	[tilespmem:v1+s7+$0x0] =	vst.idx.add.f32.msk $0xffff, v0  }
0x1a: {  	v1 =	vld [tilespmem:s13+$0x10];
	_ =	sdelay $0x7  }
0x1b: {  	[tilespmem:v1+s7+$0x0] =	vst.idx.add.f32.msk $0xffff, v0  }
0x1c: {  	v1 =	vld [tilespmem:s13+$0x2810];
	_ =	sdelay $0x4  }
0x1d: {  	v1 =	vadd.s32 $0x2800, v1;
	_ =	sdelay $0x4  }
0x1e: {  	[tilespmem:v1+s7+$0x0] =	vst.idx.add.f32.msk $0xffff, v0  }
0x1f: {  	v1 =	vld [tilespmem:s13+$0x20];
	_ =	sdelay $0x7  }
0x20: {  	[tilespmem:v1+s7+$0x0] =	vst.idx.add.f32.msk $0xffff, v0  }
0x21: {  	v1 =	vld [tilespmem:s13+$0x2820];
	_ =	sdelay $0x4  }
0x22: {  	v1 =	vadd.s32 $0x2800, v1;
	_ =	sdelay $0x4  }
0x23: {  	[tilespmem:v1+s7+$0x0] =	vst.idx.add.f32.msk $0xffff, v0  }
0x24: {  	v1 =	vld [tilespmem:s13+$0x30];
	_ =	sdelay $0x7  }
0x25: {  	[tilespmem:v1+s7+$0x0] =	vst.idx.add.f32.msk $0xffff, v0  }
0x26: {  	v1 =	vld [tilespmem:s13+$0x2830];
	_ =	sdelay $0x4  }
0x27: {  	v1 =	vadd.s32 $0x2800, v1;
	_ =	sdelay $0x4  }
0x28: {  	[tilespmem:v1+s7+$0x0] =	vst.idx.add.f32.msk $0xffff, v0  }
0x29: {  	v1 =	vld [tilespmem:s13+$0x40];
	_ =	sdelay $0x7  }
0x2a: {  	[tilespmem:v1+s7+$0x0] =	vst.idx.add.f32.msk $0xffff, v0  }
0x2b: {  	v1 =	vld [tilespmem:s13+$0x2840];
	_ =	sdelay $0x4  }
0x2c: {  	v1 =	vadd.s32 $0x2800, v1;
	_ =	sdelay $0x4  }
0x2d: {  	[tilespmem:v1+s7+$0x0] =	vst.idx.add.f32.msk $0xffff, v0  }
0x2e: {  	v1 =	vld [tilespmem:s13+$0x50];
	_ =	sdelay $0x7  }
0x2f: {  	[tilespmem:v1+s7+$0x0] =	vst.idx.add.f32.msk $0xffff, v0  }
0x30: {  	v1 =	vld [tilespmem:s13+$0x2850];
	_ =	sdelay $0x4  }
0x31: {  	v1 =	vadd.s32 $0x2800, v1;
	_ =	sdelay $0x4  }
0x32: {  	[tilespmem:v1+s7+$0x0] =	vst.idx.add.f32.msk $0xffff, v0  }
0x33: {  	v1 =	vld [tilespmem:s13+$0x60];
	_ =	sdelay $0x7  }
0x34: {  	[tilespmem:v1+s7+$0x0] =	vst.idx.add.f32.msk $0xffff, v0  }
0x35: {  	v1 =	vld [tilespmem:s13+$0x2860];
	_ =	sdelay $0x4  }
0x36: {  	v1 =	vadd.s32 $0x2800, v1;
	_ =	sdelay $0x4  }
0x37: {  	[tilespmem:v1+s7+$0x0] =	vst.idx.add.f32.msk $0xffff, v0  }
0x38: {  	v1 =	vld [tilespmem:s13+$0x70];
	_ =	sdelay $0x7  }
0x39: {  	[tilespmem:v1+s7+$0x0] =	vst.idx.add.f32.msk $0xffff, v0  }
0x3a: {  	v1 =	vld [tilespmem:s13+$0x2870];
	_ =	sdelay $0x4  }
0x3b: {  	p0 =	sne.s32 s12, $0x9E00;
	v1 =	vadd.s32 $0x2800, v1  }
.Ltmp0:
0x3c: {  	_ = 	snop;
	(pc) =	sbr.rel @p0 .LBB2_2-.Ltmp0, $2  }
0x3d: {  	_ =	sdelay $0x2  }
0x3e: {  	s12 =	sadd.s32 $0x200, s12;
	[tilespmem:v1+s7+$0x0] =	vst.idx.add.f32.msk $0xffff, v0  }
0x3f: {  	s11 =	sadd.s32 $0x1, s11  }
0x40: {  	p0 =	sne.s32 s11, s6  }
.Ltmp1:
0x41: {  	_ = 	snop;
	(pc) =	sbr.rel @p0 .LBB2_1-.Ltmp1, $4  }
0x42: {  	[hbm4b:s5+s9] =	stream.strided.scatter [tilespmem:s7], [sflag:$0x1], $0x5000, s10, s9, $0x38;
	[tilespmem:$0xA000] =	vst v63  }
0x43: {  	_ =	swait.ge [sflag:s8], $0x5000  }
0x44: {  	[sflag:s8] =	ssyncset.done $0x0  }
0x45: {  	[sflag:s8] =	ssyncadd.s32 $0xFFFFB000  }
0x46: {  	_ =	sfence.sel $0x180000  }
0x47: {  	[bflag:$0x0] =	sbarrier.arrive $0xFFFF  }
0x48: {  	p0 =	sne.s32 s0, $0x0;
	_ =	strace $0x90000047  }
0x49: {  	s0 =	sadd.s32 @!p0 $0x100000, s1;
	[bflag:$0x2] =	sbarrier.arrive $0xFFFF  }
0x4a: {  	[sflag:s0] =	ssyncadd.tile.s32 @!p0 $0x1;
	_ =	shalt  }
.Lfunc_end2:
_tile_overlayer_lowered:
.L_overlay_start_2:
0x4b: {  	(tag) =	ssettag $0x2  }
0x4c: {  	s0 =	rddreg [dreg:$0x0];
	s2 =	stileid.u32  }
0x4d: {  	s1 =	rddreg [dreg:$0x1];
	p0 =	sne.s32 s2, $0x0  }
0x4e: {  	s3 =	rddreg [dreg:$0x2];
	[bflag:$0x3] =	sbarrier.arrive $0xFFFF;
	s2 =	simm.s32 @!p0 $0x1C01  }
0x4f: {  	[timem:s3], [sflag:s2] =	dma.local @!p0 [hbm:s0], s1  }
0x50: {  	s0 =	simm.s32 @!p0 $0x1  }
0x51: {  	_ =	swait.ge @!p0 [sflag:s0], s1  }
0x52: {  	s1 =	ssub.s32 @!p0 $0x0, s1;
	[sflag:s0] =	ssyncset.done @!p0 $0x0  }
0x53: {  	[sflag:s0] =	ssyncadd.s32 @!p0 s1  }
0x54: {  	[bflag:$0x3] =	sbarrier.arrive $0xFFFF  }
0x55: {  	_ =	shalt  }

// kernel: kernel.9.cloned.1.call-start
scs
__scs_entry_jumppad:
0x0: {  	(pc) =	sbr.rel $0x88, $3  }
0x1: {  	(tag) =	ssettag $0x0;
	lr =	simm.s32 $0x1  }
0x2: {  	[smem:$0x3F9C] =	sst lr;
	_ =	strace $0xD0000000  }
0x3: {  	_ = 	snop  }
0x4: {  	_ = 	snop  }
0x5: {  	_ = 	snop  }
0x6: {  	_ = 	snop  }
0x7: {  	_ = 	snop  }
__scs_overlays_trampoline_lowered:
0x8: {  	[smem:$0x3FAB] =	sst s0  }
0x9: {  	[smem:$0x3FAC] =	sst s1  }
0xa: {  	[smem:$0x3FAD] =	sst s2  }
0xb: {  	[smem:$0x3FAE] =	sst s3  }
0xc: {  	[smem:$0x3FAF] =	sst s4  }
0xd: {  	[smem:$0x3FB0] =	sst s5  }
0xe: {  	[smem:$0x3FB1] =	sst s6  }
0xf: {  	[smem:$0x3FB2] =	sst s7  }
0x10: {  	[smem:$0x3FB3] =	sst s8  }
0x11: {  	[smem:$0x3FB4] =	sst s9;
	s0 =	simm.s32 @!p0 $0x0  }
0x12: {  	s1 =	sld [smem:$0x3F9A];
	s0 =	simm.s32 @p0 $0x1  }
0x13: {  	[smem:$0x3FB5] =	sst s0;
	s0 =	simm.s32 @!p1 $0x0  }
0x14: {  	s2 =	sld [smem:$0x3F99];
	s0 =	simm.s32 @p1 $0x1  }
0x15: {  	[smem:$0x3FB6] =	sst s0;
	s0 =	simm.s32 @!p2 $0x0  }
0x16: {  	s3 =	sld [smem:$0x3FDB];
	s0 =	simm.s32 @p2 $0x1  }
0x17: {  	s4 =	simm.s32 $0x1BF5;
	[smem:$0x3FB8] =	sst s0  }
0x18: {  	s0 =	sld [smem:$0x3F9B];
	_ =	swait.ge [sflag:s4], $0x0  }
0x19: {  	s7 =	sld [smem:$0x3F9C]  }
0x1a: {  	s8 =	sadd.s32 $0xFFFFE003, lr  }
0x1b: {  	s9 =	sadd.s32 $0xFFFFFEF7, lr;
	s5 =	simm.s32 $0xFFFFFFFF;
	p2 =	slt.u32 s8, $0xFFFFF086  }
0x1c: {  	p1 =	slt.u32 s9, $0xF7A;
	s5 =	simm.s32 @!p2 $0x0  }
0x1d: {  	s5 =	simm.s32 @p1 $0x1;
	p0 =	seq.s32 s7, s2  }
0x1e: {  	s7 =	smul.u32 @!p0 $0xF7A, s2;
	p2 =	seq.s32 @!p0 s5, $0x0  }
0x1f: {  	s9 =	smul.u32 $0xF7A, s1;
	s8 =	simm.s32 @!p0 $0x1BF5;
	p2 =	por !p2, p0  }
0x20: {  	[sflag:s8] =	ssyncset.s32 @!p0 $0xFFFFF086;
	s6 =	sadd.s32 @!p0 s3, s7;
	s7 =	simm.s32 @!p0 $0x108  }
0x21: {  	s3 =	sadd.s32 s3, s9;
	s6 =	sadd.s32 @!p0 $0x88, s6;
	s7 =	simm.s32 @p2 $0x1082  }
0x22: {  	[simem:s7], [sflag:s8] =	dma.local @!p0 [hbm:s6], $0xF7A  }
0x23: {  	s9 =	sor.u32 $0xD0000000, s2;
	s6 =	simm.s32 $0x108;
	_ =	swait.ge @!p0 [sflag:s8], $0x0  }
0x24: {  	s3 =	sadd.s32 $0x88, s3;
	s6 =	simm.s32 @!p1 $0x1082;
	[sflag:s4] =	ssyncset.s32 $0xFFFFF086  }
0x25: {  	[simem:s6], [sflag:s4] =	dma.local [hbm:s3], $0xF7A  }
0x26: {  	[smem:$0x3F9C] =	sst s1;
	(tag) =	ssettag s2;
	_ =	strace s9  }
0x27: {  	s1 =	sld [smem:$0x3FAC]  }
0x28: {  	s2 =	sld [smem:$0x3FAD]  }
0x29: {  	s4 =	sld [smem:$0x3FAF]  }
0x2a: {  	p0 =	seq.s32 s5, $0x0;
	s5 =	sld [smem:$0x3FB0]  }
0x2b: {  	s6 =	sld [smem:$0x3FB1]  }
0x2c: {  	s7 =	sld [smem:$0x3FB2]  }
0x2d: {  	s3 =	simm.s32 $0x108;
	s8 =	sld [smem:$0x3FB3]  }
0x2e: {  	s3 =	simm.s32 @!p0 $0x1082;
	s9 =	sld [smem:$0x3FB4]  }
0x2f: {  	lr =	sadd.s32 s0, s3;
	s0 =	sld [smem:$0x3FAB]  }
0x30: {  	s3 =	sld [smem:$0x3FAE]  }
0x31: {  	[smem:$0x3FB7] =	sst s10  }
0x32: {  	s10 =	sld [smem:$0x3FB5];
	_ =	sdelay $0x3  }
0x33: {  	p0 =	seq.s32 s10, $0x1;
	s10 =	sld [smem:$0x3FB7];
	_ =	sdelay $0x3  }
0x34: {  	[smem:$0x3FB7] =	sst s10  }
0x35: {  	s10 =	sld [smem:$0x3FB6];
	_ =	sdelay $0x3  }
0x36: {  	p1 =	seq.s32 s10, $0x1;
	s10 =	sld [smem:$0x3FB7];
	_ =	sdelay $0x3  }
0x37: {  	[smem:$0x3FB7] =	sst s10  }
0x38: {  	s10 =	sld [smem:$0x3FB8]  }
0x39: {  	_ = 	snop;
	(pc) =	sbr.ind lr, $3  }
0x3a: {  	_ = 	snop  }
0x3b: {  	_ = 	snop  }
0x3c: {  	p2 =	seq.s32 s10, $0x1;
	s10 =	sld [smem:$0x3FB7]  }
0x3d: {  	_ =	shalt  }
0x3e: {  	_ =	shalt  }
0x3f: {  	_ =	shalt  }
0x40: {  	_ =	shalt  }
0x41: {  	_ =	shalt  }
0x42: {  	_ =	shalt  }
0x43: {  	_ =	shalt  }
0x44: {  	_ =	shalt  }
0x45: {  	_ =	shalt  }
0x46: {  	_ =	shalt  }
0x47: {  	_ =	shalt  }
0x48: {  	_ =	shalt  }
0x49: {  	_ =	shalt  }
0x4a: {  	_ =	shalt  }
0x4b: {  	_ =	shalt  }
0x4c: {  	_ =	shalt  }
0x4d: {  	_ =	shalt  }
0x4e: {  	_ =	shalt  }
0x4f: {  	_ =	shalt  }
0x50: {  	_ =	shalt  }
0x51: {  	_ =	shalt  }
0x52: {  	_ =	shalt  }
0x53: {  	_ =	shalt  }
0x54: {  	_ =	shalt  }
0x55: {  	_ =	shalt  }
0x56: {  	_ =	shalt  }
0x57: {  	_ =	shalt  }
0x58: {  	_ =	shalt  }
0x59: {  	_ =	shalt  }
0x5a: {  	_ =	shalt  }
0x5b: {  	_ =	shalt  }
0x5c: {  	_ =	shalt  }
0x5d: {  	_ =	shalt  }
0x5e: {  	_ =	shalt  }
0x5f: {  	_ =	shalt  }
0x60: {  	_ =	shalt  }
0x61: {  	_ =	shalt  }
0x62: {  	_ =	shalt  }
0x63: {  	_ =	shalt  }
0x64: {  	_ =	shalt  }
0x65: {  	_ =	shalt  }
0x66: {  	_ =	shalt  }
0x67: {  	_ =	shalt  }
0x68: {  	_ =	shalt  }
0x69: {  	_ =	shalt  }
0x6a: {  	_ =	shalt  }
0x6b: {  	_ =	shalt  }
0x6c: {  	_ =	shalt  }
0x6d: {  	_ =	shalt  }
0x6e: {  	_ =	shalt  }
0x6f: {  	_ =	shalt  }
0x70: {  	_ =	shalt  }
0x71: {  	_ =	shalt  }
0x72: {  	_ =	shalt  }
0x73: {  	_ =	shalt  }
0x74: {  	_ =	shalt  }
0x75: {  	_ =	shalt  }
0x76: {  	_ =	shalt  }
0x77: {  	_ =	shalt  }
0x78: {  	_ =	shalt  }
0x79: {  	_ =	shalt  }
0x7a: {  	_ =	shalt  }
0x7b: {  	_ =	shalt  }
0x7c: {  	_ =	shalt  }
0x7d: {  	_ =	shalt  }
0x7e: {  	_ =	shalt  }
0x7f: {  	_ =	shalt  }
0x80: {  	_ =	shalt  }
0x81: {  	_ =	shalt  }
0x82: {  	_ =	shalt  }
0x83: {  	_ =	shalt  }
0x84: {  	_ =	shalt  }
0x85: {  	_ =	shalt  }
0x86: {  	_ =	shalt  }
0x87: {  	_ =	shalt  }
.Lfunc_end0:
.L_simem_size_0:
called_computation.1_lowered:
.L_overlay_start_0:
0x88: {  	s2 =	sld [smem:$0x3FD9]  }
0x89: {  	s3 =	sld [smem:$0x3FFE];
	_ =	sdelay $0x1  }
0x8a: {  	s1 =	srdreg.scid  }
0x8b: {  	s0 =	sand.u32 $0x1, s1  }
0x8c: {  	s16 =	sshll.u32 s0, $0xA;
	s2 =	sadd.s32 s3, s2  }
0x8d: {  	s2 =	sadd.s32 s2, s16  }
0x8e: {  	[smem:$0x3FC3] =	sst s2  }
0x8f: {  	_ = 	snop  }
0x90: {  	(tm) =	ssettm $0x1  }
0x91: {  	s17 =	sld [smem:$0x3FFB];
	_ =	sdelay $0x3  }
0x92: {  	_ =	strace s17  }
0x93: {  	s2 =	sld [smem:$0x3FFC];
	_ =	sdelay $0x3  }
0x94: {  	_ =	strace s2  }
0x95: {  	s2 =	sld [smem:$0x3FFD];
	_ =	sdelay $0x3  }
0x96: {  	_ =	strace s2  }
0x97: {  	_ =	strace $0x8FFFFFFF  }
0x98: {  	s18 =	sld [smem:$0x3FDB];
	_ =	sdelay $0x1  }
0x99: {  	s19 =	simm.s32 $_scs_section_size  }
0x9a: {  	s4 =	simm.s32 $_size__tile_overlayer_lowered;
	s5 =	simm.s32 $_tile_overlayer_lowered  }
0x9b: {  	s22 =	simm.s32 $0x1BFF;
	s21 =	sshll.u32 s5, $0x1;
	s2 =	sadd.s32 s19, s18  }
0x9c: {  	s6 =	simm.s32 $0x0;
	s20 =	sshll.u32 s4, $0x1;
	s4 =	sadd.s32 s21, s2  }
0x9d: {  	[timem:s6], [sflag:s22] =	dma.local [hbm:s4], s20  }
0x9e: {  	_ =	swait.ge [sflag:s22], s20  }
0x9f: {  	s3 =	ssub.s32 $0x0, s20;
	[sflag:s22] =	ssyncset.done $0x0  }
0xa0: {  	[sflag:s22] =	ssyncadd.s32 s3;
	_ =	sdelay $0x1  }
0xa1: {  	s23 =	simm.s32 $0x1B8B  }
0xa2: {  	_ =	swait.ge [sflag:s23], $0x1  }
0xa3: {  	[sflag:s23] =	ssyncset.done $0x0  }
0xa4: {  	s25 =	simm.s32 $0x1B8E;
	s24 =	sld [smem:$0x3FFE];
	[sflag:s23] =	ssyncadd.s32 $0xFFFFFFFF  }
0xa5: {  	s26 =	simm.s32 $execute0_lowered;
	[smem:$0x3FD2] =	sst s25  }
0xa6: {  	s4 =	sshll.u32 s26, $0x1;
	_ =	strace $0x80000049;
	[dreg:$0x1] =	wrdreg $0xFFFFFFFF  }
0xa7: {  	s28 =	simm.s32 $_size_execute0_lowered;
	s2 =	sadd.s32 s2, s4;
	[dreg:$0x0] =	wrdreg $0x0  }
0xa8: {  	s4 =	sshll.u32 s28, $0x1;
	[dreg:$0x2] =	wrdreg s2  }
0xa9: {  	[dreg:$0x3] =	wrdreg s4  }
0xaa: {  	[dreg:$0x4] =	wrdreg $0xC0  }
0xab: {  	_ =	task [dreg:s6], $0x5FFFF  }
0xac: {  	[dreg:$0x1] =	wrdreg $0xFFFFFFFF  }
0xad: {  	[dreg:$0x0] =	wrdreg $0x60  }
0xae: {  	[dreg:$0x2] =	wrdreg s24  }
0xaf: {  	[dreg:$0x3] =	wrdreg $0xA8000  }
0xb0: {  	[dreg:$0x4] =	wrdreg $0x9  }
0xb1: {  	_ =	task.clear_ibuf [dreg:s6], $0x5FFFF;
	_ =	strace $0x90000049  }
0xb2: {  	s29 =	simm.s32 $0x9;
	_ =	strace $0x8000004B  }
0xb3: {  	_ =	swait.ge [sflag:s29], $0x1  }
0xb4: {  	[sflag:s29] =	ssyncadd.s32 $0xFFFFFFFF  }
0xb5: {  	_ =	strace $0x9000004B  }
0xb6: {  	_ =	sfence  }
0xb7: {  	s30 =	sld [smem:$0x0];
	_ =	sdelay $0x2  }
0xb8: {  	s31 =	sshll.u32 s1, $0xD;
	s1 =	sshrl.u32 s1, $0x2  }
0xb9: {  	s3 =	sand.u32 $0x4000, s31;
	s1 =	sadd.s32 s1, s30  }
0xba: {  	s0 =	sor.u32 s3, s0;
	s1 =	sshll.u32 s1, $0x11  }
0xbb: {  	s0 =	sor.u32 s1, s0  }
0xbc: {  	s0 =	sadd.s32 $0x8F2B, s0  }
0xbd: {  	[sflag:s0] =	ssyncadd.remote.s32 $0x1  }
0xbe: {  	_ =	sfence.sel $0xFFFF  }
0xbf: {  	[dreg:$0x0] =	wrdreg $0xFFFFFFFF;
	(pc) =	sbr.abs _section_cstart, $3  }
0xc0: {  	[dreg:$0x1] =	wrdreg $0xFFFFFFFF  }
0xc1: {  	_ =	task.clear_ibuf [dreg:s6], $0x2FFFF;
	_ =	strace $0x9FFFFFFF  }
0xc2: {  	(tm) =	ssettm $0x7FFFFFFF  }
0xc3: {  	_ =	shalt  }
tec
execute0_lowered:
.L_overlay_start_1:
0x0: {  	(tag) =	ssettag $0x1  }
0x1: {  	s5 =	rddreg [dreg:$0x0]  }
0x2: {  	s2 =	rddreg [dreg:$0x1]  }
0x3: {  	s0 =	rddreg [dreg:$0x2]  }
0x4: {  	s3 =	simm.s32 $0x0;
	s1 =	stileid.u32;
	s4 =	srdreg.scid  }
0x5: {  	s15 =	simm.s32 $0x1400;
	s16 =	simm.s32 $0x80;
	s17 =	simm.s32 $0x2800  }
0x6: {  	s18 =	simm.s32 $0x6800;
	s19 =	simm.s32 $0x1;
	s20 =	simm.s32 $0x2  }
0x7: {  	s21 =	simm.s32 $0x1380;
	s22 =	simm.s32 $0x2700;
	s23 =	simm.s32 $0x2780  }
0x8: {  	s24 =	simm.s32 $0x0;
	[smem:$0x7FF] =	sst s3;
	s6 =	smul.u32 $0x14000, s1  }
0x9: {  	s7 =	sand.u32 $0x1, s4;
	s4 =	sadd.s32 $0x15A00, s5;
	s9 =	sadd.s32 $0x1A00, s5  }
0xa: {  	s10 =	sadd.s32 $0xBA00, s5;
	s25 =	sshll.u32 s1, $0x1;
	s13 =	smul.u32 $0x50000, s1  }
0xb: {  	s29 =	sshll.u32 s1, $0x6;
	_ =	strace $0x8000004A;
	s8 =	smul.u32 $0x140000, s7  }
0xc: {  	s12 =	ssub.s32 $0x2, s7;
	s7 =	sor.u32 s7, s25;
	s11 =	sshrl.u32 s6, $0x3  }
0xd: {  	s26 =	sshrl.u32 s12, $0x1;
	s7 =	smul.u32 $0x2800, s7;
	s28 =	sshrl.u32 s13, $0x2  }
0xe: {  	s11 =	sadd.s32 s11, s5;
	s6 =	sadd.s32 s6, s8;
	s12 =	ssub.s32 s12, s26  }
0xf: {  	s13 =	sadd.s32 s28, s2;
	s6 =	sshrl.u32 s6, $0x3;
	s30 =	sshrl.u32 s7, $0x3  }
0x10: {  	s12 =	smax.u32 s12, $0x1;
	s13 =	sshrl.u32 s13, $0x3;
	s14 =	sadd.s32 s6, s5  }
0x11: {  	s5 =	sadd.s32 $0x3DA00, s11;
	s6 =	sor.u32 $0x1C03, s29;
	s31 =	sadd.s32 $0x280, s30  }
0x12: {  	s7 =	sadd.s32 s9, s30;
	s8 =	sadd.s32 s10, s30;
	s9 =	sadd.s32 s9, s31  }
0x13: {  	s10 =	sadd.s32 s10, s31;
	s11 =	sadd.s32 $0x65A00, s14;
	s14 =	simm.s32 $0x3  }
.LBB2_1:
0x14: {  	[spmem:s13], [sflag:s6] =	dma.local [hbm:s5], $0x2800  }
0x15: {  	_ =	swait.ge [sflag:s14], $0x2800  }
0x16: {  	[sflag:s14] =	ssyncset.done $0x0  }
0x17: {  	[sflag:s14] =	ssyncadd.s32 $0xFFFFD800  }
0x18: {  	[bflag:$0x0] =	sbarrier.arrive $0xFFFF  }
0x19: {  	[tilespmem:s3], [sflag:$0x3] =	stream.linear.gather [hbm4b:s7+s3], $0x1400, $0x38;
	[tilespmem:$0x1E800] =	vst v63  }
0x1a: {  	_ =	swait.ge [sflag:s14], $0x1400  }
0x1b: {  	[sflag:s14] =	ssyncset.done $0x0  }
0x1c: {  	[sflag:s14] =	ssyncadd.s32 $0xFFFFEC00  }
0x1d: {  	[tilespmem:s15], [sflag:$0x3] =	stream.linear.gather [hbm4b:s8+s3], $0x1400, $0x38;
	[tilespmem:$0x1E800] =	vst v63  }
0x1e: {  	_ =	swait.ge [sflag:s14], $0x1400  }
0x1f: {  	[sflag:s14] =	ssyncset.done $0x0  }
0x20: {  	[sflag:s14] =	ssyncadd.s32 $0xFFFFEC00  }
0x21: {  	[tilespmem:s17], [sflag:$0x1] =	stream.indirect.gather [hbm4b:s4+s16], $0x80, s3, s16, $0xb8;
	[tilespmem:$0x1E800] =	vst v63  }
0x22: {  	s25 =	simm.s32 $0x80  }
0x23: {  	[tilespmem:s18], [sflag:$0x2] =	stream.indirect.gather [hbm4b:s4+s16], $0x80, s25, s16, $0xb8;
	[tilespmem:$0x1E800] =	vst v63  }
0x24: {  	_ =	swait.ge [sflag:s19], $0x4000  }
0x25: {  	[sflag:s19] =	ssyncset.done $0x0  }
0x26: {  	s29 =	simm.s32 $0x1400;
	[sflag:s19] =	ssyncadd.s32 $0xFFFFC000  }
0x27: {  	[spmem:s2] =	stream.indirect.scatter.add.f32 [tilespmem:s17], [sflag:$0x3], $0x80, s29, s16, $0xb8;
	[tilespmem:$0x1E800] =	vst v63  }
0x28: {  	_ =	swait.ge [sflag:s14], $0x4000  }
0x29: {  	[sflag:s14] =	ssyncset.done $0x0  }
0x2a: {  	s30 =	simm.s32 $0x100;
	[sflag:s14] =	ssyncadd.s32 $0xFFFFC000  }
0x2b: {  	[tilespmem:s17], [sflag:$0x1] =	stream.indirect.gather [hbm4b:s4+s16], $0x80, s30, s16, $0xb8;
	[tilespmem:$0x1E800] =	vst v63  }
0x2c: {  	_ =	swait.ge [sflag:s20], $0x4000  }
0x2d: {  	[sflag:s20] =	ssyncset.done $0x0  }
0x2e: {  	s31 =	simm.s32 $0x1480;
	[sflag:s20] =	ssyncadd.s32 $0xFFFFC000  }
0x2f: {  	[spmem:s2] =	stream.indirect.scatter.add.f32 [tilespmem:s18], [sflag:$0x3], $0x80, s31, s16, $0xb8;
	[tilespmem:$0x1E800] =	vst v63  }
0x30: {  	_ =	swait.ge [sflag:s14], $0x4000  }
0x31: {  	s26 =	simm.s32 $0x800;
	s25 =	simm.s32 $0x100;
	[sflag:s14] =	ssyncset.done $0x0  }
.LBB2_2:
0x32: {  	s28 =	sadd.s32 $0x80, s25  }
0x33: {  	[sflag:s14] =	ssyncadd.s32 $0xFFFFC000;
	s29 =	smov.u32 s26;
	s30 =	sadd.s32 $0x400, s26  }
0x34: {  	[tilespmem:s18], [sflag:$0x2] =	stream.indirect.gather [hbm4b:s4+s16], $0x80, s28, s16, $0xb8;
	[tilespmem:$0x1E800] =	vst v63  }
0x35: {  	p0 =	sne.s32 s26, $0x4800;
	_ =	swait.ge [sflag:s19], $0x4000  }
0x36: {  	[sflag:s19] =	ssyncset.done $0x0  }
0x37: {  	s26 =	sadd.s32 $0x1400, s25;
	[sflag:s19] =	ssyncadd.s32 $0xFFFFC000  }
0x38: {  	[spmem:s2] =	stream.indirect.scatter.add.f32 [tilespmem:s17], [sflag:$0x3], $0x80, s26, s16, $0xb8;
	[tilespmem:$0x1E800] =	vst v63  }
0x39: {  	_ =	swait.ge [sflag:s14], $0x4000  }
0x3a: {  	[sflag:s14] =	ssyncset.done $0x0  }
0x3b: {  	s26 =	sadd.s32 $0x100, s25;
	[sflag:s14] =	ssyncadd.s32 $0xFFFFC000  }
0x3c: {  	[tilespmem:s17], [sflag:$0x1] =	stream.indirect.gather [hbm4b:s4+s16], $0x80, s26, s16, $0xb8;
	[tilespmem:$0x1E800] =	vst v63  }
0x3d: {  	_ =	swait.ge [sflag:s20], $0x4000  }
.Ltmp0:
0x3e: {  	[sflag:s20] =	ssyncset.done $0x0;
	(pc) =	sbr.rel @p0 .LBB2_2-.Ltmp0, $4  }
0x3f: {  	s25 =	sadd.s32 $0x1480, s25;
	[sflag:s20] =	ssyncadd.s32 $0xFFFFC000  }
0x40: {  	[spmem:s2] =	stream.indirect.scatter.add.f32 [tilespmem:s18], [sflag:$0x3], $0x80, s25, s16, $0xb8;
	[tilespmem:$0x1E800] =	vst v63  }
0x41: {  	_ =	swait.ge [sflag:s14], $0x4000  }
0x42: {  	s26 =	smov.u32 s30;
	s25 =	sshra.s32 s29, $0x2;
	[sflag:s14] =	ssyncset.done $0x0  }
0x43: {  	s26 =	sadd.s32 $0x80, s25;
	[sflag:s14] =	ssyncadd.s32 $0xFFFFC000  }
0x44: {  	[tilespmem:s18], [sflag:$0x2] =	stream.indirect.gather [hbm4b:s4+s16], $0x80, s26, s16, $0xb8;
	[tilespmem:$0x1E800] =	vst v63  }
0x45: {  	_ =	swait.ge [sflag:s19], $0x4000  }
0x46: {  	[sflag:s19] =	ssyncset.done $0x0  }
0x47: {  	s29 =	sadd.s32 $0x1400, s25;
	[sflag:s19] =	ssyncadd.s32 $0xFFFFC000  }
0x48: {  	[spmem:s2] =	stream.indirect.scatter.add.f32 [tilespmem:s17], [sflag:$0x3], $0x80, s29, s16, $0xb8;
	[tilespmem:$0x1E800] =	vst v63  }
0x49: {  	_ =	swait.ge [sflag:s14], $0x4000  }
0x4a: {  	[sflag:s14] =	ssyncset.done $0x0  }
0x4b: {  	s30 =	sadd.s32 $0x100, s25;
	[sflag:s14] =	ssyncadd.s32 $0xFFFFC000  }
0x4c: {  	[tilespmem:s17], [sflag:$0x1] =	stream.indirect.gather [hbm4b:s4+s16], $0x80, s30, s16, $0xb8;
	[tilespmem:$0x1E800] =	vst v63  }
0x4d: {  	_ =	swait.ge [sflag:s20], $0x4000  }
0x4e: {  	[sflag:s20] =	ssyncset.done $0x0  }
0x4f: {  	s31 =	sadd.s32 $0x1480, s25;
	[sflag:s20] =	ssyncadd.s32 $0xFFFFC000  }
0x50: {  	[spmem:s2] =	stream.indirect.scatter.add.f32 [tilespmem:s18], [sflag:$0x3], $0x80, s31, s16, $0xb8;
	[tilespmem:$0x1E800] =	vst v63  }
0x51: {  	_ =	swait.ge [sflag:s14], $0x4000  }
0x52: {  	[sflag:s14] =	ssyncset.done $0x0  }
0x53: {  	[sflag:s14] =	ssyncadd.s32 $0xFFFFC000  }
0x54: {  	[tilespmem:s18], [sflag:$0x2] =	stream.indirect.gather [hbm4b:s4+s16], $0x80, s21, s16, $0xb8;
	[tilespmem:$0x1E800] =	vst v63  }
0x55: {  	_ =	swait.ge [sflag:s19], $0x4000  }
0x56: {  	[sflag:s19] =	ssyncset.done $0x0  }
0x57: {  	[sflag:s19] =	ssyncadd.s32 $0xFFFFC000  }
0x58: {  	[spmem:s2] =	stream.indirect.scatter.add.f32 [tilespmem:s17], [sflag:$0x3], $0x80, s22, s16, $0xb8;
	[tilespmem:$0x1E800] =	vst v63  }
0x59: {  	_ =	swait.ge [sflag:s14], $0x4000  }
0x5a: {  	[sflag:s14] =	ssyncset.done $0x0  }
0x5b: {  	[sflag:s14] =	ssyncadd.s32 $0xFFFFC000  }
0x5c: {  	_ =	swait.ge [sflag:s20], $0x4000  }
0x5d: {  	[sflag:s20] =	ssyncset.done $0x0  }
0x5e: {  	[sflag:s20] =	ssyncadd.s32 $0xFFFFC000  }
0x5f: {  	[spmem:s2] =	stream.indirect.scatter.add.f32 [tilespmem:s18], [sflag:$0x3], $0x80, s23, s16, $0xb8;
	[tilespmem:$0x1E800] =	vst v63  }
0x60: {  	_ =	swait.ge [sflag:s14], $0x4000  }
0x61: {  	[sflag:s14] =	ssyncset.done $0x0  }
0x62: {  	s26 =	simm.s32 $0x0;
	[sflag:s14] =	ssyncadd.s32 $0xFFFFC000  }
0x63: {  	[tilespmem:s26], [sflag:$0x3] =	stream.linear.gather [hbm4b:s9+s26], $0x1400, $0x38;
	[tilespmem:$0x1E800] =	vst v63  }
0x64: {  	_ =	swait.ge [sflag:s14], $0x1400  }
0x65: {  	[sflag:s14] =	ssyncset.done $0x0  }
0x66: {  	[sflag:s14] =	ssyncadd.s32 $0xFFFFEC00  }
0x67: {  	[tilespmem:s15], [sflag:$0x3] =	stream.linear.gather [hbm4b:s10+s26], $0x1400, $0x38;
	[tilespmem:$0x1E800] =	vst v63  }
0x68: {  	_ =	swait.ge [sflag:s14], $0x1400  }
0x69: {  	[sflag:s14] =	ssyncset.done $0x0  }
0x6a: {  	[sflag:s14] =	ssyncadd.s32 $0xFFFFEC00  }
0x6b: {  	[tilespmem:s17], [sflag:$0x1] =	stream.indirect.gather [hbm4b:s4+s16], $0x80, s26, s16, $0xb8;
	[tilespmem:$0x1E800] =	vst v63  }
0x6c: {  	s28 =	simm.s32 $0x80  }
0x6d: {  	[tilespmem:s18], [sflag:$0x2] =	stream.indirect.gather [hbm4b:s4+s16], $0x80, s28, s16, $0xb8;
	[tilespmem:$0x1E800] =	vst v63  }
0x6e: {  	_ =	swait.ge [sflag:s19], $0x4000  }
0x6f: {  	[sflag:s19] =	ssyncset.done $0x0  }
0x70: {  	s29 =	simm.s32 $0x1400;
	[sflag:s19] =	ssyncadd.s32 $0xFFFFC000  }
0x71: {  	[spmem:s2] =	stream.indirect.scatter.add.f32 [tilespmem:s17], [sflag:$0x3], $0x80, s29, s16, $0xb8;
	[tilespmem:$0x1E800] =	vst v63  }
0x72: {  	_ =	swait.ge [sflag:s14], $0x4000  }
0x73: {  	[sflag:s14] =	ssyncset.done $0x0  }
0x74: {  	s30 =	simm.s32 $0x100;
	[sflag:s14] =	ssyncadd.s32 $0xFFFFC000  }
0x75: {  	[tilespmem:s17], [sflag:$0x1] =	stream.indirect.gather [hbm4b:s4+s16], $0x80, s30, s16, $0xb8;
	[tilespmem:$0x1E800] =	vst v63  }
0x76: {  	_ =	swait.ge [sflag:s20], $0x4000  }
0x77: {  	[sflag:s20] =	ssyncset.done $0x0  }
0x78: {  	s31 =	simm.s32 $0x1480;
	[sflag:s20] =	ssyncadd.s32 $0xFFFFC000  }
0x79: {  	[spmem:s2] =	stream.indirect.scatter.add.f32 [tilespmem:s18], [sflag:$0x3], $0x80, s31, s16, $0xb8;
	[tilespmem:$0x1E800] =	vst v63  }
0x7a: {  	_ =	swait.ge [sflag:s14], $0x4000  }
0x7b: {  	s25 =	simm.s32 $0x100;
	s26 =	simm.s32 $0x800;
	[sflag:s14] =	ssyncset.done $0x0  }
.LBB2_4:
0x7c: {  	s28 =	sadd.s32 $0x80, s25  }
0x7d: {  	[sflag:s14] =	ssyncadd.s32 $0xFFFFC000;
	s29 =	smov.u32 s26;
	s30 =	sadd.s32 $0x400, s26  }
0x7e: {  	[tilespmem:s18], [sflag:$0x2] =	stream.indirect.gather [hbm4b:s4+s16], $0x80, s28, s16, $0xb8;
	[tilespmem:$0x1E800] =	vst v63  }
0x7f: {  	p0 =	sne.s32 s26, $0x4800;
	_ =	swait.ge [sflag:s19], $0x4000  }
0x80: {  	[sflag:s19] =	ssyncset.done $0x0  }
0x81: {  	s26 =	sadd.s32 $0x1400, s25;
	[sflag:s19] =	ssyncadd.s32 $0xFFFFC000  }
0x82: {  	[spmem:s2] =	stream.indirect.scatter.add.f32 [tilespmem:s17], [sflag:$0x3], $0x80, s26, s16, $0xb8;
	[tilespmem:$0x1E800] =	vst v63  }
0x83: {  	_ =	swait.ge [sflag:s14], $0x4000  }
0x84: {  	[sflag:s14] =	ssyncset.done $0x0  }
0x85: {  	s26 =	sadd.s32 $0x100, s25;
	[sflag:s14] =	ssyncadd.s32 $0xFFFFC000  }
0x86: {  	[tilespmem:s17], [sflag:$0x1] =	stream.indirect.gather [hbm4b:s4+s16], $0x80, s26, s16, $0xb8;
	[tilespmem:$0x1E800] =	vst v63  }
0x87: {  	_ =	swait.ge [sflag:s20], $0x4000  }
.Ltmp1:
0x88: {  	[sflag:s20] =	ssyncset.done $0x0;
	(pc) =	sbr.rel @p0 .LBB2_4-.Ltmp1, $4  }
0x89: {  	s25 =	sadd.s32 $0x1480, s25;
	[sflag:s20] =	ssyncadd.s32 $0xFFFFC000  }
0x8a: {  	[spmem:s2] =	stream.indirect.scatter.add.f32 [tilespmem:s18], [sflag:$0x3], $0x80, s25, s16, $0xb8;
	[tilespmem:$0x1E800] =	vst v63  }
0x8b: {  	_ =	swait.ge [sflag:s14], $0x4000  }
0x8c: {  	s26 =	smov.u32 s30;
	s25 =	sshra.s32 s29, $0x2;
	[sflag:s14] =	ssyncset.done $0x0  }
0x8d: {  	s26 =	sadd.s32 $0x80, s25;
	[sflag:s14] =	ssyncadd.s32 $0xFFFFC000  }
0x8e: {  	[tilespmem:s18], [sflag:$0x2] =	stream.indirect.gather [hbm4b:s4+s16], $0x80, s26, s16, $0xb8;
	[tilespmem:$0x1E800] =	vst v63  }
0x8f: {  	_ =	swait.ge [sflag:s19], $0x4000  }
0x90: {  	[sflag:s19] =	ssyncset.done $0x0  }
0x91: {  	s29 =	sadd.s32 $0x1400, s25;
	[sflag:s19] =	ssyncadd.s32 $0xFFFFC000  }
0x92: {  	[spmem:s2] =	stream.indirect.scatter.add.f32 [tilespmem:s17], [sflag:$0x3], $0x80, s29, s16, $0xb8;
	[tilespmem:$0x1E800] =	vst v63  }
0x93: {  	_ =	swait.ge [sflag:s14], $0x4000  }
0x94: {  	[sflag:s14] =	ssyncset.done $0x0  }
0x95: {  	s30 =	sadd.s32 $0x100, s25;
	[sflag:s14] =	ssyncadd.s32 $0xFFFFC000  }
0x96: {  	[tilespmem:s17], [sflag:$0x1] =	stream.indirect.gather [hbm4b:s4+s16], $0x80, s30, s16, $0xb8;
	[tilespmem:$0x1E800] =	vst v63  }
0x97: {  	_ =	swait.ge [sflag:s20], $0x4000  }
0x98: {  	[sflag:s20] =	ssyncset.done $0x0  }
0x99: {  	s31 =	sadd.s32 $0x1480, s25;
	[sflag:s20] =	ssyncadd.s32 $0xFFFFC000  }
0x9a: {  	[spmem:s2] =	stream.indirect.scatter.add.f32 [tilespmem:s18], [sflag:$0x3], $0x80, s31, s16, $0xb8;
	[tilespmem:$0x1E800] =	vst v63  }
0x9b: {  	_ =	swait.ge [sflag:s14], $0x4000  }
0x9c: {  	[sflag:s14] =	ssyncset.done $0x0  }
0x9d: {  	[sflag:s14] =	ssyncadd.s32 $0xFFFFC000  }
0x9e: {  	[tilespmem:s18], [sflag:$0x2] =	stream.indirect.gather [hbm4b:s4+s16], $0x80, s21, s16, $0xb8;
	[tilespmem:$0x1E800] =	vst v63  }
0x9f: {  	_ =	swait.ge [sflag:s19], $0x4000  }
0xa0: {  	[sflag:s19] =	ssyncset.done $0x0  }
0xa1: {  	[sflag:s19] =	ssyncadd.s32 $0xFFFFC000  }
0xa2: {  	[spmem:s2] =	stream.indirect.scatter.add.f32 [tilespmem:s17], [sflag:$0x3], $0x80, s22, s16, $0xb8;
	[tilespmem:$0x1E800] =	vst v63  }
0xa3: {  	_ =	swait.ge [sflag:s14], $0x4000  }
0xa4: {  	[sflag:s14] =	ssyncset.done $0x0  }
0xa5: {  	[sflag:s14] =	ssyncadd.s32 $0xFFFFC000  }
0xa6: {  	_ =	swait.ge [sflag:s20], $0x4000  }
0xa7: {  	[sflag:s20] =	ssyncset.done $0x0  }
0xa8: {  	[sflag:s20] =	ssyncadd.s32 $0xFFFFC000  }
0xa9: {  	[spmem:s2] =	stream.indirect.scatter.add.f32 [tilespmem:s18], [sflag:$0x3], $0x80, s23, s16, $0xb8;
	[tilespmem:$0x1E800] =	vst v63  }
0xaa: {  	_ =	swait.ge [sflag:s14], $0x4000  }
0xab: {  	s24 =	sadd.s32 $0x1, s24;
	[sflag:s14] =	ssyncset.done $0x0  }
0xac: {  	p0 =	sne.s32 s24, s12;
	[sflag:s14] =	ssyncadd.s32 $0xFFFFC000  }
.Ltmp2:
0xad: {  	[bflag:$0x0] =	sbarrier.arrive $0xFFFF;
	(pc) =	sbr.rel @p0 .LBB2_1-.Ltmp2, $4  }
0xae: {  	[hbm:s11], [sflag:s6] =	dma.local [spmem:s13], $0x2800  }
0xaf: {  	_ =	swait.ge [sflag:s14], $0x2800  }
0xb0: {  	[sflag:s14] =	ssyncset.done $0x0  }
0xb1: {  	[sflag:s14] =	ssyncadd.s32 $0xFFFFD800  }
0xb2: {  	_ =	sfence.sel $0x180000  }
0xb3: {  	[bflag:$0x0] =	sbarrier.arrive $0xFFFF  }
0xb4: {  	p0 =	sne.s32 s1, $0x0;
	_ =	strace $0x9000004A  }
0xb5: {  	s0 =	sadd.s32 @!p0 $0x100000, s0;
	[bflag:$0x2] =	sbarrier.arrive $0xFFFF  }
0xb6: {  	[sflag:s0] =	ssyncadd.tile.s32 @!p0 $0x1;
	_ =	shalt  }
.Lfunc_end2:
_tile_overlayer_lowered:
.L_overlay_start_2:
0xb7: {  	(tag) =	ssettag $0x2  }
0xb8: {  	s0 =	rddreg [dreg:$0x0];
	s2 =	stileid.u32  }
0xb9: {  	s1 =	rddreg [dreg:$0x1];
	p0 =	sne.s32 s2, $0x0  }
0xba: {  	s3 =	rddreg [dreg:$0x2];
	[bflag:$0x3] =	sbarrier.arrive $0xFFFF;
	s2 =	simm.s32 @!p0 $0x1C03  }
0xbb: {  	[timem:s3], [sflag:s2] =	dma.local @!p0 [hbm:s0], s1  }
0xbc: {  	s0 =	simm.s32 @!p0 $0x3  }
0xbd: {  	_ =	swait.ge @!p0 [sflag:s0], s1  }
0xbe: {  	s1 =	ssub.s32 @!p0 $0x0, s1;
	[sflag:s0] =	ssyncset.done @!p0 $0x0  }
0xbf: {  	[sflag:s0] =	ssyncadd.s32 @!p0 s1  }
0xc0: {  	[bflag:$0x3] =	sbarrier.arrive $0xFFFF  }
0xc1: {  	_ =	shalt  }

</sc_bundles>
